<compile_context>
chip_gen: v7x
topology: tpu7x:2x2x1
jax: 0.10.2.dev20260603
libtpu: 0.0.44.dev20260713+nightly
codegen_flags: <defaults>
</compile_context>

<pallas_src>
import functools

import jax
import jax.numpy as jnp
from jax import lax
from jax.experimental import pallas as pl
from jax.experimental.pallas import tpu as pltpu
from jax.experimental.pallas import tpu_sc as plsc

N = 10000
E = 320000
H = 128
NUM_LAYERS = 2

NC = 2
NS = 16
NW = NC * NS
CH = 128
NCHUNK = -(-(E // NW) // CH)
EDGES_PER_TILE = CH * NCHUNK
E_PAD = EDGES_PER_TILE * NW
NPAD = 10240
ROWS_PER_TILE = NPAD // NS


def _sc_segment_sum_body(x_hbm, src_hbm, dst_hbm, zero_hbm, out_hbm,
                         si0, si1, di0, di1, rows0, rows1, acc_sh,
                         sg0, sg1):
  core = lax.axis_index("c")
  sub = lax.axis_index("s")
  wid = sub * NC + core
  base = wid * EDGES_PER_TILE

  pltpu.sync_copy(zero_hbm, acc_sh.at[pl.ds(sub * ROWS_PER_TILE, ROWS_PER_TILE)])
  plsc.subcore_barrier()

  pltpu.sync_copy(src_hbm.at[pl.ds(base, CH)], si0)
  pltpu.async_copy(x_hbm.at[si0], rows0, sg0)
  pltpu.sync_copy(src_hbm.at[pl.ds(base + CH, CH)], si1)
  pltpu.async_copy(x_hbm.at[si1], rows1, sg1)

  def chunk_step(c, b, si_b, di_b, rows_b, sg_b, start_next):
    off = base + c * CH
    pltpu.sync_copy(dst_hbm.at[pl.ds(off, CH)], di_b)
    pltpu.make_async_copy(x_hbm.at[si_b], rows_b, sg_b).wait()
    pltpu.sync_copy(rows_b, acc_sh.at[di_b], add=True)
    if start_next:
      pltpu.sync_copy(src_hbm.at[pl.ds(off + 2 * CH, CH)], si_b)
      pltpu.async_copy(x_hbm.at[si_b], rows_b, sg_b)

  def body(g, carry):
    chunk_step(2 * g, 0, si0, di0, rows0, sg0, True)
    chunk_step(2 * g + 1, 1, si1, di1, rows1, sg1, True)
    return carry

  lax.fori_loop(0, NCHUNK // 2 - 1, body, 0)
  chunk_step(NCHUNK - 2, 0, si0, di0, rows0, sg0, False)
  chunk_step(NCHUNK - 1, 1, si1, di1, rows1, sg1, False)
  plsc.subcore_barrier()

  r0 = sub * ROWS_PER_TILE
  pltpu.sync_copy(acc_sh.at[pl.ds(r0, ROWS_PER_TILE)],
                  out_hbm.at[core, pl.ds(r0, ROWS_PER_TILE)])


_sc_segment_sum = functools.partial(
    pl.kernel,
    mesh=plsc.VectorSubcoreMesh(core_axis_name="c", subcore_axis_name="s"),
    out_type=jax.ShapeDtypeStruct((NC, NPAD, H), jnp.float32),
    scratch_types=[
        pltpu.VMEM((CH,), jnp.int32),
        pltpu.VMEM((CH,), jnp.int32),
        pltpu.VMEM((CH,), jnp.int32),
        pltpu.VMEM((CH,), jnp.int32),
        pltpu.VMEM((CH, H), jnp.float32),
        pltpu.VMEM((CH, H), jnp.float32),
        pltpu.VMEM_SHARED((NPAD, H), jnp.float32),
        pltpu.SemaphoreType.DMA,
        pltpu.SemaphoreType.DMA,
    ],
)(_sc_segment_sum_body)


def _tc_dense_body(x_ref, part_ref, w0_ref, w1_ref, pp_ref, out_ref):
  def bn_relu(m, g_row, b_row):
    mean = jnp.mean(m, axis=0, keepdims=True)
    c = m - mean
    var = jnp.mean(c * c, axis=0, keepdims=True)
    y = c * lax.rsqrt(var + 1e-5) * pp_ref[g_row:g_row + 1, :] \
        + pp_ref[b_row:b_row + 1, :]
    return jnp.maximum(y, 0.0)

  neigh = part_ref[0, 0:N, :] + part_ref[1, 0:N, :]
  r = (1.0 + pp_ref[6:7, :]) * x_ref[...] + neigh
  m = jnp.dot(r, w0_ref[...], preferred_element_type=jnp.float32)
  m = bn_relu(m, 0, 1)
  m = jnp.dot(m, w1_ref[...], preferred_element_type=jnp.float32)
  m = bn_relu(m, 2, 3)
  out_ref[...] = bn_relu(m, 4, 5)


_tc_dense = pl.pallas_call(
    _tc_dense_body,
    out_shape=jax.ShapeDtypeStruct((N, H), jnp.float32),
)


def kernel(h, edge_index, params):
  pad = E_PAD - E
  src = jnp.concatenate(
      [edge_index[0], jnp.arange(pad, dtype=jnp.int32) % N])
  dst = jnp.concatenate(
      [edge_index[1], N + (jnp.arange(pad, dtype=jnp.int32) % (NPAD - N))])
  zero = jnp.zeros((ROWS_PER_TILE, H), jnp.float32)

  outs = [h]
  x = h
  for i in range(NUM_LAYERS):
    partials = _sc_segment_sum(x, src, dst, zero)
    pp = jnp.stack([
        params[f"g_mlp_{i}"], params[f"b_mlp_{i}"],
        params[f"g_app_{i}"], params[f"b_app_{i}"],
        params[f"g_enc_{i}"], params[f"b_enc_{i}"],
        jnp.full((H,), params[f"eps_{i}"], jnp.float32),
        jnp.zeros((H,), jnp.float32),
    ])
    x = _tc_dense(x, partials, params[f"W0_{i}"], params[f"W1_{i}"], pp)
    outs.append(x)
  return jnp.concatenate([t.reshape(1, N, H) for t in outs], axis=-1)

# --- scband reference (transcript-rebuilt; emitter-appended) ---
"""Pipeline reference for scband-ginencoder-no-pooling-41729902248078 (READ-ONLY COPY).

The authoritative reference and input builder live on the scoring server;
editing this copy changes nothing except your own understanding.
"""

import jax, jax.numpy as jnp
import numpy as np

N = 10000
E = 320000
D = 128
H = 128
NUM_GIN_LAYERS = 2  # num_layers - 1


def _bn(x, gamma, beta, eps=1e-5):
    # BatchNorm1d in training mode: normalize over the node/batch axis
    mean = jnp.mean(x, axis=0, keepdims=True)
    var = jnp.var(x, axis=0, keepdims=True)
    return (x - mean) / jnp.sqrt(var + eps) * gamma + beta


def setup_inputs(seed: int = 0) -> dict:
    key = jax.random.key(seed)
    ks = jax.random.split(key, 32)
    h = jax.random.normal(ks[0], (N, D), dtype=jnp.float32)
    edge_index = jax.random.randint(ks[1], (2, E), 0, N, dtype=jnp.int32)
    params = {}
    k = 2
    for i in range(NUM_GIN_LAYERS):
        in_d = D if i == 0 else H
        params[f"W0_{i}"] = jax.random.normal(ks[k], (in_d, H), dtype=jnp.float32) / np.sqrt(in_d); k += 1
        params[f"W1_{i}"] = jax.random.normal(ks[k], (H, H), dtype=jnp.float32) / np.sqrt(H); k += 1
        params[f"eps_{i}"] = jnp.zeros((), dtype=jnp.float32)  # learnable eps, init 0
        for tag in ("mlp", "app", "enc"):
            params[f"g_{tag}_{i}"] = jnp.ones((H,), dtype=jnp.float32)
            params[f"b_{tag}_{i}"] = jnp.zeros((H,), dtype=jnp.float32)
    return {"h": h, "edge_index": edge_index, "params": params}


def _forward(h, params, src, dst):
    hidden_rep = [h]
    x = h
    for i in range(NUM_GIN_LAYERS):
        # GINConv with sum aggregation: (1+eps)*x + sum_{j in N(i)} x_j
        neigh = jax.ops.segment_sum(x[src], dst, num_segments=N)
        r = (1.0 + params[f"eps_{i}"]) * x + neigh
        # MLP (num_mlp_layers=2): Linear(no bias) -> BN -> ReLU -> Linear(no bias)
        m = r @ params[f"W0_{i}"]
        m = jax.nn.relu(_bn(m, params[f"g_mlp_{i}"], params[f"b_mlp_{i}"]))
        m = m @ params[f"W1_{i}"]
        # ApplyNodeFunc: BN -> ReLU
        m = jax.nn.relu(_bn(m, params[f"g_app_{i}"], params[f"b_app_{i}"]))
        # encoder-level BN -> ReLU
        x = jax.nn.relu(_bn(m, params[f"g_enc_{i}"], params[f"b_enc_{i}"]))
        hidden_rep.append(x)
    # batch_size = 1 graph of N nodes; concat hidden reps along feature axis
    outs = [t.reshape(1, N, t.shape[-1]) for t in hidden_rep]
    return jnp.concatenate(outs, axis=-1)


def reference(h, edge_index, params):
    return _forward(h, params, edge_index[0], edge_index[1])

if __name__ == "__main__":
    import jax
    _d = setup_inputs()
    print(jax.jit(kernel)(*tuple(_d.values())))

</pallas_src>

<mosaic_0001>
#map = affine_map<(d0, d1) -> (0, 0)>
#map1 = affine_map<(d0, d1) -> (0)>
#map2 = affine_map<(d0, d1) -> (0, 0, 0)>
module attributes {stable_mosaic.version = 14 : i64} {
  func.func @_sc_segment_sum_body(%arg0: i32, %arg1: i32, %arg2: memref<10000x128xf32, #tpu.memory_space<hbm>>, %arg3: memref<323584xi32, #tpu.memory_space<hbm>>, %arg4: memref<323584xi32, #tpu.memory_space<hbm>>, %arg5: memref<640x128xf32, #tpu.memory_space<hbm>>, %arg6: memref<2x10240x128xf32, #tpu.memory_space<hbm>>, %arg7: memref<128xi32, #tpu.memory_space<vmem>>, %arg8: memref<128xi32, #tpu.memory_space<vmem>>, %arg9: memref<128xi32, #tpu.memory_space<vmem>>, %arg10: memref<128xi32, #tpu.memory_space<vmem>>, %arg11: memref<128x128xf32, #tpu.memory_space<vmem>>, %arg12: memref<128x128xf32, #tpu.memory_space<vmem>>, %arg13: memref<10240x128xf32, #tpu.memory_space<vmem_shared>>, %arg14: memref<!tpu.dma_semaphore, #tpu.memory_space<semaphore_mem>>, %arg15: memref<!tpu.dma_semaphore, #tpu.memory_space<semaphore_mem>>) attributes {dimension_semantics = [#tpu.dimension_semantics<core_parallel>, #tpu.dimension_semantics<subcore_parallel>], iteration_bounds = array<i64: 2, 16>, scalar_prefetch = 0 : i64, scratch_operands = 9 : i64, tpu.core_type = #tpu.core_type<sc_vector_subcore>, window_params = [{transform_indices = #map}, {transform_indices = #map1}, {transform_indices = #map1}, {transform_indices = #map}, {transform_indices = #map2}]} {
    %mul3A = arith.constant 2 : i32
    %mul3A_0 = arith.muli %arg1, %mul3A : i32
    %add3A = arith.addi %mul3A_0, %arg0 : i32
    %mul3A_1 = arith.constant 10112 : i32
    %mul3A_2 = arith.muli %add3A, %mul3A_1 : i32
    %mul3A_3 = arith.constant 640 : i32
    %mul3A_4 = arith.muli %arg1, %mul3A_3 : i32
    "tpu.region"() ({
      %run_scoped3A = tpu.sem_alloc : memref<!tpu.dma_semaphore, #tpu.memory_space<semaphore_mem>>
      %dma_start3A_29 = arith.constant 0 : i32
      %dma_start3A_30 = tpu.memref_slice %arg13[%mul3A_4, %dma_start3A_29] : memref<10240x128xf32, #tpu.memory_space<vmem_shared>> -> memref<640x128xf32, #tpu.memory_space<vmem_shared>>
      tpu.enqueue_dma source(%arg5 : memref<640x128xf32, #tpu.memory_space<hbm>>) target(%dma_start3A_30 : memref<640x128xf32, #tpu.memory_space<vmem_shared>>) target_semaphore(%run_scoped3A : memref<!tpu.dma_semaphore, #tpu.memory_space<semaphore_mem>>)
      %dma_wait3A_31 = arith.constant 0 : i32
      %dma_wait3A_32 = tpu.memref_slice %arg13[%mul3A_4, %dma_wait3A_31] : memref<10240x128xf32, #tpu.memory_space<vmem_shared>> -> memref<640x128xf32, #tpu.memory_space<vmem_shared>>
      tpu.wait_dma2 semaphore(%run_scoped3A : memref<!tpu.dma_semaphore, #tpu.memory_space<semaphore_mem>>) src(%arg5 : memref<640x128xf32, #tpu.memory_space<hbm>>) dst(%dma_wait3A_32 : memref<640x128xf32, #tpu.memory_space<vmem_shared>>)
      tpu.yield
    }) : () -> ()
    %barrier3A = arith.constant 0 : index
    tpu.barrier barrier_id(%barrier3A)
    "tpu.region"() ({
      %run_scoped3A = tpu.sem_alloc : memref<!tpu.dma_semaphore, #tpu.memory_space<semaphore_mem>>
      %dma_start3A_29 = tpu.memref_slice %arg3[%mul3A_2] : memref<323584xi32, #tpu.memory_space<hbm>> -> memref<128xi32, #tpu.memory_space<hbm>>
      %dma_start3A_30 = tpu.memref_slice %arg3[%mul3A_2] : memref<323584xi32, #tpu.memory_space<hbm>> -> memref<128xi32, #tpu.memory_space<hbm>>
      tpu.enqueue_dma source(%dma_start3A_30 : memref<128xi32, #tpu.memory_space<hbm>>) target(%arg7 : memref<128xi32, #tpu.memory_space<vmem>>) target_semaphore(%run_scoped3A : memref<!tpu.dma_semaphore, #tpu.memory_space<semaphore_mem>>)
      %dma_wait3A_31 = tpu.memref_slice %arg3[%mul3A_2] : memref<323584xi32, #tpu.memory_space<hbm>> -> memref<128xi32, #tpu.memory_space<hbm>>
      %dma_wait3A_32 = tpu.memref_slice %arg3[%mul3A_2] : memref<323584xi32, #tpu.memory_space<hbm>> -> memref<128xi32, #tpu.memory_space<hbm>>
      tpu.wait_dma2 semaphore(%run_scoped3A : memref<!tpu.dma_semaphore, #tpu.memory_space<semaphore_mem>>) src(%dma_wait3A_32 : memref<128xi32, #tpu.memory_space<hbm>>) dst(%arg7 : memref<128xi32, #tpu.memory_space<vmem>>)
      tpu.yield
    }) : () -> ()
    %dma_start3A = arith.constant 0 : i32
    %dma_start3A_5 = arith.constant 0 : i32
    %dma_start3A_6 = tpu.memref_slice %arg2[%dma_start3A, %dma_start3A_5] : memref<10000x128xf32, #tpu.memory_space<hbm>> -> memref<10000x128xf32, #tpu.memory_space<hbm>>
    tpu.enqueue_indirect_dma source(%dma_start3A_6 : memref<10000x128xf32, #tpu.memory_space<hbm>>) target(%arg11 : memref<128x128xf32, #tpu.memory_space<vmem>>) offsets(%arg7 : memref<128xi32, #tpu.memory_space<vmem>>) semaphore(%arg14 : memref<!tpu.dma_semaphore, #tpu.memory_space<semaphore_mem>>)
    %add3A_7 = arith.constant 128 : i32
    %add3A_8 = arith.addi %mul3A_2, %add3A_7 : i32
    "tpu.region"() ({
      %run_scoped3A = tpu.sem_alloc : memref<!tpu.dma_semaphore, #tpu.memory_space<semaphore_mem>>
      %dma_start3A_29 = tpu.memref_slice %arg3[%add3A_8] : memref<323584xi32, #tpu.memory_space<hbm>> -> memref<128xi32, #tpu.memory_space<hbm>>
      %dma_start3A_30 = tpu.memref_slice %arg3[%add3A_8] : memref<323584xi32, #tpu.memory_space<hbm>> -> memref<128xi32, #tpu.memory_space<hbm>>
      tpu.enqueue_dma source(%dma_start3A_30 : memref<128xi32, #tpu.memory_space<hbm>>) target(%arg8 : memref<128xi32, #tpu.memory_space<vmem>>) target_semaphore(%run_scoped3A : memref<!tpu.dma_semaphore, #tpu.memory_space<semaphore_mem>>)
      %dma_wait3A_31 = tpu.memref_slice %arg3[%add3A_8] : memref<323584xi32, #tpu.memory_space<hbm>> -> memref<128xi32, #tpu.memory_space<hbm>>
      %dma_wait3A_32 = tpu.memref_slice %arg3[%add3A_8] : memref<323584xi32, #tpu.memory_space<hbm>> -> memref<128xi32, #tpu.memory_space<hbm>>
      tpu.wait_dma2 semaphore(%run_scoped3A : memref<!tpu.dma_semaphore, #tpu.memory_space<semaphore_mem>>) src(%dma_wait3A_32 : memref<128xi32, #tpu.memory_space<hbm>>) dst(%arg8 : memref<128xi32, #tpu.memory_space<vmem>>)
      tpu.yield
    }) : () -> ()
    %dma_start3A_9 = arith.constant 0 : i32
    %dma_start3A_10 = arith.constant 0 : i32
    %dma_start3A_11 = tpu.memref_slice %arg2[%dma_start3A_9, %dma_start3A_10] : memref<10000x128xf32, #tpu.memory_space<hbm>> -> memref<10000x128xf32, #tpu.memory_space<hbm>>
    tpu.enqueue_indirect_dma source(%dma_start3A_11 : memref<10000x128xf32, #tpu.memory_space<hbm>>) target(%arg12 : memref<128x128xf32, #tpu.memory_space<vmem>>) offsets(%arg8 : memref<128xi32, #tpu.memory_space<vmem>>) semaphore(%arg15 : memref<!tpu.dma_semaphore, #tpu.memory_space<semaphore_mem>>)
    %scan3A = arith.constant 0 : i32
    %scan3A_12 = arith.constant 0 : i32
    %scan3A_13 = arith.constant 38 : i32
    %scan3A_14 = arith.addi %scan3A_12, %scan3A_13 : i32
    %scan3A_15 = arith.constant 1 : i32
    scf.for %scan3A_29 = %scan3A_12 to %scan3A_14 step %scan3A_15  : i32 {
      %mul3A_30 = arith.constant 2 : i32
      %mul3A_31 = arith.muli %mul3A_30, %scan3A_29 : i32
      %mul3A_32 = arith.constant 128 : i32
      %mul3A_33 = arith.muli %mul3A_31, %mul3A_32 : i32
      %add3A_34 = arith.addi %mul3A_2, %mul3A_33 : i32
      "tpu.region"() ({
        %run_scoped3A = tpu.sem_alloc : memref<!tpu.dma_semaphore, #tpu.memory_space<semaphore_mem>>
        %dma_start3A_58 = tpu.memref_slice %arg4[%add3A_34] : memref<323584xi32, #tpu.memory_space<hbm>> -> memref<128xi32, #tpu.memory_space<hbm>>
        %dma_start3A_59 = tpu.memref_slice %arg4[%add3A_34] : memref<323584xi32, #tpu.memory_space<hbm>> -> memref<128xi32, #tpu.memory_space<hbm>>
        tpu.enqueue_dma source(%dma_start3A_59 : memref<128xi32, #tpu.memory_space<hbm>>) target(%arg9 : memref<128xi32, #tpu.memory_space<vmem>>) target_semaphore(%run_scoped3A : memref<!tpu.dma_semaphore, #tpu.memory_space<semaphore_mem>>)
        %dma_wait3A_60 = tpu.memref_slice %arg4[%add3A_34] : memref<323584xi32, #tpu.memory_space<hbm>> -> memref<128xi32, #tpu.memory_space<hbm>>
        %dma_wait3A_61 = tpu.memref_slice %arg4[%add3A_34] : memref<323584xi32, #tpu.memory_space<hbm>> -> memref<128xi32, #tpu.memory_space<hbm>>
        tpu.wait_dma2 semaphore(%run_scoped3A : memref<!tpu.dma_semaphore, #tpu.memory_space<semaphore_mem>>) src(%dma_wait3A_61 : memref<128xi32, #tpu.memory_space<hbm>>) dst(%arg9 : memref<128xi32, #tpu.memory_space<vmem>>)
        tpu.yield
      }) : () -> ()
      %dma_wait3A_35 = arith.constant 0 : i32
      %dma_wait3A_36 = arith.constant 0 : i32
      %dma_wait3A_37 = tpu.memref_slice %arg2[%dma_wait3A_35, %dma_wait3A_36] : memref<10000x128xf32, #tpu.memory_space<hbm>> -> memref<10000x128xf32, #tpu.memory_space<hbm>>
      tpu.wait_indirect_dma semaphore(%arg14 : memref<!tpu.dma_semaphore, #tpu.memory_space<semaphore_mem>>) src(%dma_wait3A_37 : memref<10000x128xf32, #tpu.memory_space<hbm>>) dst(%arg11 : memref<128x128xf32, #tpu.memory_space<vmem>>)
      "tpu.region"() ({
        %run_scoped3A = tpu.sem_alloc : memref<!tpu.dma_semaphore, #tpu.memory_space<semaphore_mem>>
        %dma_start3A_58 = arith.constant 0 : i32
        %dma_start3A_59 = arith.constant 0 : i32
        %dma_start3A_60 = tpu.memref_slice %arg13[%dma_start3A_58, %dma_start3A_59] : memref<10240x128xf32, #tpu.memory_space<vmem_shared>> -> memref<10240x128xf32, #tpu.memory_space<vmem_shared>>
        tpu.enqueue_indirect_dma source(%arg11 : memref<128x128xf32, #tpu.memory_space<vmem>>) target(%dma_start3A_60 : memref<10240x128xf32, #tpu.memory_space<vmem_shared>>) offsets(%arg9 : memref<128xi32, #tpu.memory_space<vmem>>) semaphore(%run_scoped3A : memref<!tpu.dma_semaphore, #tpu.memory_space<semaphore_mem>>) {add = true}
        %dma_wait3A_61 = arith.constant 0 : i32
        %dma_wait3A_62 = arith.constant 0 : i32
        %dma_wait3A_63 = tpu.memref_slice %arg13[%dma_wait3A_61, %dma_wait3A_62] : memref<10240x128xf32, #tpu.memory_space<vmem_shared>> -> memref<10240x128xf32, #tpu.memory_space<vmem_shared>>
        tpu.wait_indirect_dma semaphore(%run_scoped3A : memref<!tpu.dma_semaphore, #tpu.memory_space<semaphore_mem>>) src(%arg11 : memref<128x128xf32, #tpu.memory_space<vmem>>) dst(%dma_wait3A_63 : memref<10240x128xf32, #tpu.memory_space<vmem_shared>>)
        tpu.yield
      }) : () -> ()
      %add3A_38 = arith.constant 256 : i32
      %add3A_39 = arith.addi %add3A_34, %add3A_38 : i32
      "tpu.region"() ({
        %run_scoped3A = tpu.sem_alloc : memref<!tpu.dma_semaphore, #tpu.memory_space<semaphore_mem>>
        %dma_start3A_58 = tpu.memref_slice %arg3[%add3A_39] : memref<323584xi32, #tpu.memory_space<hbm>> -> memref<128xi32, #tpu.memory_space<hbm>>
        %dma_start3A_59 = tpu.memref_slice %arg3[%add3A_39] : memref<323584xi32, #tpu.memory_space<hbm>> -> memref<128xi32, #tpu.memory_space<hbm>>
        tpu.enqueue_dma source(%dma_start3A_59 : memref<128xi32, #tpu.memory_space<hbm>>) target(%arg7 : memref<128xi32, #tpu.memory_space<vmem>>) target_semaphore(%run_scoped3A : memref<!tpu.dma_semaphore, #tpu.memory_space<semaphore_mem>>)
        %dma_wait3A_60 = tpu.memref_slice %arg3[%add3A_39] : memref<323584xi32, #tpu.memory_space<hbm>> -> memref<128xi32, #tpu.memory_space<hbm>>
        %dma_wait3A_61 = tpu.memref_slice %arg3[%add3A_39] : memref<323584xi32, #tpu.memory_space<hbm>> -> memref<128xi32, #tpu.memory_space<hbm>>
        tpu.wait_dma2 semaphore(%run_scoped3A : memref<!tpu.dma_semaphore, #tpu.memory_space<semaphore_mem>>) src(%dma_wait3A_61 : memref<128xi32, #tpu.memory_space<hbm>>) dst(%arg7 : memref<128xi32, #tpu.memory_space<vmem>>)
        tpu.yield
      }) : () -> ()
      %dma_start3A_40 = arith.constant 0 : i32
      %dma_start3A_41 = arith.constant 0 : i32
      %dma_start3A_42 = tpu.memref_slice %arg2[%dma_start3A_40, %dma_start3A_41] : memref<10000x128xf32, #tpu.memory_space<hbm>> -> memref<10000x128xf32, #tpu.memory_space<hbm>>
      tpu.enqueue_indirect_dma source(%dma_start3A_42 : memref<10000x128xf32, #tpu.memory_space<hbm>>) target(%arg11 : memref<128x128xf32, #tpu.memory_space<vmem>>) offsets(%arg7 : memref<128xi32, #tpu.memory_space<vmem>>) semaphore(%arg14 : memref<!tpu.dma_semaphore, #tpu.memory_space<semaphore_mem>>)
      %mul3A_43 = arith.constant 2 : i32
      %mul3A_44 = arith.muli %mul3A_43, %scan3A_29 : i32
      %add3A_45 = arith.constant 1 : i32
      %add3A_46 = arith.addi %mul3A_44, %add3A_45 : i32
      %mul3A_47 = arith.constant 128 : i32
      %mul3A_48 = arith.muli %add3A_46, %mul3A_47 : i32
      %add3A_49 = arith.addi %mul3A_2, %mul3A_48 : i32
      "tpu.region"() ({
        %run_scoped3A = tpu.sem_alloc : memref<!tpu.dma_semaphore, #tpu.memory_space<semaphore_mem>>
        %dma_start3A_58 = tpu.memref_slice %arg4[%add3A_49] : memref<323584xi32, #tpu.memory_space<hbm>> -> memref<128xi32, #tpu.memory_space<hbm>>
        %dma_start3A_59 = tpu.memref_slice %arg4[%add3A_49] : memref<323584xi32, #tpu.memory_space<hbm>> -> memref<128xi32, #tpu.memory_space<hbm>>
        tpu.enqueue_dma source(%dma_start3A_59 : memref<128xi32, #tpu.memory_space<hbm>>) target(%arg10 : memref<128xi32, #tpu.memory_space<vmem>>) target_semaphore(%run_scoped3A : memref<!tpu.dma_semaphore, #tpu.memory_space<semaphore_mem>>)
        %dma_wait3A_60 = tpu.memref_slice %arg4[%add3A_49] : memref<323584xi32, #tpu.memory_space<hbm>> -> memref<128xi32, #tpu.memory_space<hbm>>
        %dma_wait3A_61 = tpu.memref_slice %arg4[%add3A_49] : memref<323584xi32, #tpu.memory_space<hbm>> -> memref<128xi32, #tpu.memory_space<hbm>>
        tpu.wait_dma2 semaphore(%run_scoped3A : memref<!tpu.dma_semaphore, #tpu.memory_space<semaphore_mem>>) src(%dma_wait3A_61 : memref<128xi32, #tpu.memory_space<hbm>>) dst(%arg10 : memref<128xi32, #tpu.memory_space<vmem>>)
        tpu.yield
      }) : () -> ()
      %dma_wait3A_50 = arith.constant 0 : i32
      %dma_wait3A_51 = arith.constant 0 : i32
      %dma_wait3A_52 = tpu.memref_slice %arg2[%dma_wait3A_50, %dma_wait3A_51] : memref<10000x128xf32, #tpu.memory_space<hbm>> -> memref<10000x128xf32, #tpu.memory_space<hbm>>
      tpu.wait_indirect_dma semaphore(%arg15 : memref<!tpu.dma_semaphore, #tpu.memory_space<semaphore_mem>>) src(%dma_wait3A_52 : memref<10000x128xf32, #tpu.memory_space<hbm>>) dst(%arg12 : memref<128x128xf32, #tpu.memory_space<vmem>>)
      "tpu.region"() ({
        %run_scoped3A = tpu.sem_alloc : memref<!tpu.dma_semaphore, #tpu.memory_space<semaphore_mem>>
        %dma_start3A_58 = arith.constant 0 : i32
        %dma_start3A_59 = arith.constant 0 : i32
        %dma_start3A_60 = tpu.memref_slice %arg13[%dma_start3A_58, %dma_start3A_59] : memref<10240x128xf32, #tpu.memory_space<vmem_shared>> -> memref<10240x128xf32, #tpu.memory_space<vmem_shared>>
        tpu.enqueue_indirect_dma source(%arg12 : memref<128x128xf32, #tpu.memory_space<vmem>>) target(%dma_start3A_60 : memref<10240x128xf32, #tpu.memory_space<vmem_shared>>) offsets(%arg10 : memref<128xi32, #tpu.memory_space<vmem>>) semaphore(%run_scoped3A : memref<!tpu.dma_semaphore, #tpu.memory_space<semaphore_mem>>) {add = true}
        %dma_wait3A_61 = arith.constant 0 : i32
        %dma_wait3A_62 = arith.constant 0 : i32
        %dma_wait3A_63 = tpu.memref_slice %arg13[%dma_wait3A_61, %dma_wait3A_62] : memref<10240x128xf32, #tpu.memory_space<vmem_shared>> -> memref<10240x128xf32, #tpu.memory_space<vmem_shared>>
        tpu.wait_indirect_dma semaphore(%run_scoped3A : memref<!tpu.dma_semaphore, #tpu.memory_space<semaphore_mem>>) src(%arg12 : memref<128x128xf32, #tpu.memory_space<vmem>>) dst(%dma_wait3A_63 : memref<10240x128xf32, #tpu.memory_space<vmem_shared>>)
        tpu.yield
      }) : () -> ()
      %add3A_53 = arith.constant 256 : i32
      %add3A_54 = arith.addi %add3A_49, %add3A_53 : i32
      "tpu.region"() ({
        %run_scoped3A = tpu.sem_alloc : memref<!tpu.dma_semaphore, #tpu.memory_space<semaphore_mem>>
        %dma_start3A_58 = tpu.memref_slice %arg3[%add3A_54] : memref<323584xi32, #tpu.memory_space<hbm>> -> memref<128xi32, #tpu.memory_space<hbm>>
        %dma_start3A_59 = tpu.memref_slice %arg3[%add3A_54] : memref<323584xi32, #tpu.memory_space<hbm>> -> memref<128xi32, #tpu.memory_space<hbm>>
        tpu.enqueue_dma source(%dma_start3A_59 : memref<128xi32, #tpu.memory_space<hbm>>) target(%arg8 : memref<128xi32, #tpu.memory_space<vmem>>) target_semaphore(%run_scoped3A : memref<!tpu.dma_semaphore, #tpu.memory_space<semaphore_mem>>)
        %dma_wait3A_60 = tpu.memref_slice %arg3[%add3A_54] : memref<323584xi32, #tpu.memory_space<hbm>> -> memref<128xi32, #tpu.memory_space<hbm>>
        %dma_wait3A_61 = tpu.memref_slice %arg3[%add3A_54] : memref<323584xi32, #tpu.memory_space<hbm>> -> memref<128xi32, #tpu.memory_space<hbm>>
        tpu.wait_dma2 semaphore(%run_scoped3A : memref<!tpu.dma_semaphore, #tpu.memory_space<semaphore_mem>>) src(%dma_wait3A_61 : memref<128xi32, #tpu.memory_space<hbm>>) dst(%arg8 : memref<128xi32, #tpu.memory_space<vmem>>)
        tpu.yield
      }) : () -> ()
      %dma_start3A_55 = arith.constant 0 : i32
      %dma_start3A_56 = arith.constant 0 : i32
      %dma_start3A_57 = tpu.memref_slice %arg2[%dma_start3A_55, %dma_start3A_56] : memref<10000x128xf32, #tpu.memory_space<hbm>> -> memref<10000x128xf32, #tpu.memory_space<hbm>>
      tpu.enqueue_indirect_dma source(%dma_start3A_57 : memref<10000x128xf32, #tpu.memory_space<hbm>>) target(%arg12 : memref<128x128xf32, #tpu.memory_space<vmem>>) offsets(%arg8 : memref<128xi32, #tpu.memory_space<vmem>>) semaphore(%arg15 : memref<!tpu.dma_semaphore, #tpu.memory_space<semaphore_mem>>)
    }
    %scan3A_16 = arith.constant 38 : i32
    %add3A_17 = arith.constant 9856 : i32
    %add3A_18 = arith.addi %mul3A_2, %add3A_17 : i32
    "tpu.region"() ({
      %run_scoped3A = tpu.sem_alloc : memref<!tpu.dma_semaphore, #tpu.memory_space<semaphore_mem>>
      %dma_start3A_29 = tpu.memref_slice %arg4[%add3A_18] : memref<323584xi32, #tpu.memory_space<hbm>> -> memref<128xi32, #tpu.memory_space<hbm>>
      %dma_start3A_30 = tpu.memref_slice %arg4[%add3A_18] : memref<323584xi32, #tpu.memory_space<hbm>> -> memref<128xi32, #tpu.memory_space<hbm>>
      tpu.enqueue_dma source(%dma_start3A_30 : memref<128xi32, #tpu.memory_space<hbm>>) target(%arg9 : memref<128xi32, #tpu.memory_space<vmem>>) target_semaphore(%run_scoped3A : memref<!tpu.dma_semaphore, #tpu.memory_space<semaphore_mem>>)
      %dma_wait3A_31 = tpu.memref_slice %arg4[%add3A_18] : memref<323584xi32, #tpu.memory_space<hbm>> -> memref<128xi32, #tpu.memory_space<hbm>>
      %dma_wait3A_32 = tpu.memref_slice %arg4[%add3A_18] : memref<323584xi32, #tpu.memory_space<hbm>> -> memref<128xi32, #tpu.memory_space<hbm>>
      tpu.wait_dma2 semaphore(%run_scoped3A : memref<!tpu.dma_semaphore, #tpu.memory_space<semaphore_mem>>) src(%dma_wait3A_32 : memref<128xi32, #tpu.memory_space<hbm>>) dst(%arg9 : memref<128xi32, #tpu.memory_space<vmem>>)
      tpu.yield
    }) : () -> ()
    %dma_wait3A = arith.constant 0 : i32
    %dma_wait3A_19 = arith.constant 0 : i32
    %dma_wait3A_20 = tpu.memref_slice %arg2[%dma_wait3A, %dma_wait3A_19] : memref<10000x128xf32, #tpu.memory_space<hbm>> -> memref<10000x128xf32, #tpu.memory_space<hbm>>
    tpu.wait_indirect_dma semaphore(%arg14 : memref<!tpu.dma_semaphore, #tpu.memory_space<semaphore_mem>>) src(%dma_wait3A_20 : memref<10000x128xf32, #tpu.memory_space<hbm>>) dst(%arg11 : memref<128x128xf32, #tpu.memory_space<vmem>>)
    "tpu.region"() ({
      %run_scoped3A = tpu.sem_alloc : memref<!tpu.dma_semaphore, #tpu.memory_space<semaphore_mem>>
      %dma_start3A_29 = arith.constant 0 : i32
      %dma_start3A_30 = arith.constant 0 : i32
      %dma_start3A_31 = tpu.memref_slice %arg13[%dma_start3A_29, %dma_start3A_30] : memref<10240x128xf32, #tpu.memory_space<vmem_shared>> -> memref<10240x128xf32, #tpu.memory_space<vmem_shared>>
      tpu.enqueue_indirect_dma source(%arg11 : memref<128x128xf32, #tpu.memory_space<vmem>>) target(%dma_start3A_31 : memref<10240x128xf32, #tpu.memory_space<vmem_shared>>) offsets(%arg9 : memref<128xi32, #tpu.memory_space<vmem>>) semaphore(%run_scoped3A : memref<!tpu.dma_semaphore, #tpu.memory_space<semaphore_mem>>) {add = true}
      %dma_wait3A_32 = arith.constant 0 : i32
      %dma_wait3A_33 = arith.constant 0 : i32
      %dma_wait3A_34 = tpu.memref_slice %arg13[%dma_wait3A_32, %dma_wait3A_33] : memref<10240x128xf32, #tpu.memory_space<vmem_shared>> -> memref<10240x128xf32, #tpu.memory_space<vmem_shared>>
      tpu.wait_indirect_dma semaphore(%run_scoped3A : memref<!tpu.dma_semaphore, #tpu.memory_space<semaphore_mem>>) src(%arg11 : memref<128x128xf32, #tpu.memory_space<vmem>>) dst(%dma_wait3A_34 : memref<10240x128xf32, #tpu.memory_space<vmem_shared>>)
      tpu.yield
    }) : () -> ()
    %add3A_21 = arith.constant 9984 : i32
    %add3A_22 = arith.addi %mul3A_2, %add3A_21 : i32
    "tpu.region"() ({
      %run_scoped3A = tpu.sem_alloc : memref<!tpu.dma_semaphore, #tpu.memory_space<semaphore_mem>>
      %dma_start3A_29 = tpu.memref_slice %arg4[%add3A_22] : memref<323584xi32, #tpu.memory_space<hbm>> -> memref<128xi32, #tpu.memory_space<hbm>>
      %dma_start3A_30 = tpu.memref_slice %arg4[%add3A_22] : memref<323584xi32, #tpu.memory_space<hbm>> -> memref<128xi32, #tpu.memory_space<hbm>>
      tpu.enqueue_dma source(%dma_start3A_30 : memref<128xi32, #tpu.memory_space<hbm>>) target(%arg10 : memref<128xi32, #tpu.memory_space<vmem>>) target_semaphore(%run_scoped3A : memref<!tpu.dma_semaphore, #tpu.memory_space<semaphore_mem>>)
      %dma_wait3A_31 = tpu.memref_slice %arg4[%add3A_22] : memref<323584xi32, #tpu.memory_space<hbm>> -> memref<128xi32, #tpu.memory_space<hbm>>
      %dma_wait3A_32 = tpu.memref_slice %arg4[%add3A_22] : memref<323584xi32, #tpu.memory_space<hbm>> -> memref<128xi32, #tpu.memory_space<hbm>>
      tpu.wait_dma2 semaphore(%run_scoped3A : memref<!tpu.dma_semaphore, #tpu.memory_space<semaphore_mem>>) src(%dma_wait3A_32 : memref<128xi32, #tpu.memory_space<hbm>>) dst(%arg10 : memref<128xi32, #tpu.memory_space<vmem>>)
      tpu.yield
    }) : () -> ()
    %dma_wait3A_23 = arith.constant 0 : i32
    %dma_wait3A_24 = arith.constant 0 : i32
    %dma_wait3A_25 = tpu.memref_slice %arg2[%dma_wait3A_23, %dma_wait3A_24] : memref<10000x128xf32, #tpu.memory_space<hbm>> -> memref<10000x128xf32, #tpu.memory_space<hbm>>
    tpu.wait_indirect_dma semaphore(%arg15 : memref<!tpu.dma_semaphore, #tpu.memory_space<semaphore_mem>>) src(%dma_wait3A_25 : memref<10000x128xf32, #tpu.memory_space<hbm>>) dst(%arg12 : memref<128x128xf32, #tpu.memory_space<vmem>>)
    "tpu.region"() ({
      %run_scoped3A = tpu.sem_alloc : memref<!tpu.dma_semaphore, #tpu.memory_space<semaphore_mem>>
      %dma_start3A_29 = arith.constant 0 : i32
      %dma_start3A_30 = arith.constant 0 : i32
      %dma_start3A_31 = tpu.memref_slice %arg13[%dma_start3A_29, %dma_start3A_30] : memref<10240x128xf32, #tpu.memory_space<vmem_shared>> -> memref<10240x128xf32, #tpu.memory_space<vmem_shared>>
      tpu.enqueue_indirect_dma source(%arg12 : memref<128x128xf32, #tpu.memory_space<vmem>>) target(%dma_start3A_31 : memref<10240x128xf32, #tpu.memory_space<vmem_shared>>) offsets(%arg10 : memref<128xi32, #tpu.memory_space<vmem>>) semaphore(%run_scoped3A : memref<!tpu.dma_semaphore, #tpu.memory_space<semaphore_mem>>) {add = true}
      %dma_wait3A_32 = arith.constant 0 : i32
      %dma_wait3A_33 = arith.constant 0 : i32
      %dma_wait3A_34 = tpu.memref_slice %arg13[%dma_wait3A_32, %dma_wait3A_33] : memref<10240x128xf32, #tpu.memory_space<vmem_shared>> -> memref<10240x128xf32, #tpu.memory_space<vmem_shared>>
      tpu.wait_indirect_dma semaphore(%run_scoped3A : memref<!tpu.dma_semaphore, #tpu.memory_space<semaphore_mem>>) src(%arg12 : memref<128x128xf32, #tpu.memory_space<vmem>>) dst(%dma_wait3A_34 : memref<10240x128xf32, #tpu.memory_space<vmem_shared>>)
      tpu.yield
    }) : () -> ()
    %barrier3A_26 = arith.constant 0 : index
    tpu.barrier barrier_id(%barrier3A_26)
    %mul3A_27 = arith.constant 640 : i32
    %mul3A_28 = arith.muli %arg1, %mul3A_27 : i32
    "tpu.region"() ({
      %run_scoped3A = tpu.sem_alloc : memref<!tpu.dma_semaphore, #tpu.memory_space<semaphore_mem>>
      %dma_start3A_29 = arith.constant 0 : i32
      %dma_start3A_30 = tpu.memref_slice %arg6[%arg0, %mul3A_28, %dma_start3A_29] : memref<2x10240x128xf32, #tpu.memory_space<hbm>> -> memref<1x640x128xf32, #tpu.memory_space<hbm>>
      %dma_start3A_31 = tpu.memref_squeeze %dma_start3A_30 : memref<1x640x128xf32, #tpu.memory_space<hbm>> -> memref<640x128xf32, #tpu.memory_space<hbm>>
      %dma_start3A_32 = arith.constant 0 : i32
      %dma_start3A_33 = tpu.memref_slice %arg13[%mul3A_28, %dma_start3A_32] : memref<10240x128xf32, #tpu.memory_space<vmem_shared>> -> memref<640x128xf32, #tpu.memory_space<vmem_shared>>
      tpu.enqueue_dma source(%dma_start3A_33 : memref<640x128xf32, #tpu.memory_space<vmem_shared>>) target(%dma_start3A_31 : memref<640x128xf32, #tpu.memory_space<hbm>>) target_semaphore(%run_scoped3A : memref<!tpu.dma_semaphore, #tpu.memory_space<semaphore_mem>>)
      %dma_wait3A_34 = arith.constant 0 : i32
      %dma_wait3A_35 = tpu.memref_slice %arg6[%arg0, %mul3A_28, %dma_wait3A_34] : memref<2x10240x128xf32, #tpu.memory_space<hbm>> -> memref<1x640x128xf32, #tpu.memory_space<hbm>>
      %dma_wait3A_36 = tpu.memref_squeeze %dma_wait3A_35 : memref<1x640x128xf32, #tpu.memory_space<hbm>> -> memref<640x128xf32, #tpu.memory_space<hbm>>
      %dma_wait3A_37 = arith.constant 0 : i32
      %dma_wait3A_38 = tpu.memref_slice %arg13[%mul3A_28, %dma_wait3A_37] : memref<10240x128xf32, #tpu.memory_space<vmem_shared>> -> memref<640x128xf32, #tpu.memory_space<vmem_shared>>
      tpu.wait_dma2 semaphore(%run_scoped3A : memref<!tpu.dma_semaphore, #tpu.memory_space<semaphore_mem>>) src(%dma_wait3A_38 : memref<640x128xf32, #tpu.memory_space<vmem_shared>>) dst(%dma_wait3A_36 : memref<640x128xf32, #tpu.memory_space<hbm>>)
      tpu.yield
    }) : () -> ()
    return
  }
}

#map = affine_map<(d0, d1) -> (0, 0)>
#map1 = affine_map<(d0, d1) -> (0)>
#map2 = affine_map<(d0, d1) -> (0, 0, 0)>
module attributes {stable_mosaic.version = 14 : i64} {
  func.func @_sc_segment_sum_body(%arg0: i32, %arg1: i32, %arg2: memref<10000x128xf32, #tpu.memory_space<hbm>>, %arg3: memref<323584xi32, #tpu.memory_space<hbm>>, %arg4: memref<323584xi32, #tpu.memory_space<hbm>>, %arg5: memref<640x128xf32, #tpu.memory_space<hbm>>, %arg6: memref<2x10240x128xf32, #tpu.memory_space<hbm>>, %arg7: memref<128xi32, #tpu.memory_space<vmem>>, %arg8: memref<128xi32, #tpu.memory_space<vmem>>, %arg9: memref<128xi32, #tpu.memory_space<vmem>>, %arg10: memref<128xi32, #tpu.memory_space<vmem>>, %arg11: memref<128x128xf32, #tpu.memory_space<vmem>>, %arg12: memref<128x128xf32, #tpu.memory_space<vmem>>, %arg13: memref<10240x128xf32, #tpu.memory_space<vmem_shared>>, %arg14: memref<!tpu.dma_semaphore, #tpu.memory_space<semaphore_mem>>, %arg15: memref<!tpu.dma_semaphore, #tpu.memory_space<semaphore_mem>>) attributes {dimension_semantics = [#tpu.dimension_semantics<core_parallel>, #tpu.dimension_semantics<subcore_parallel>], iteration_bounds = array<i64: 2, 16>, scalar_prefetch = 0 : i64, scratch_operands = 9 : i64, tpu.core_type = #tpu.core_type<sc_vector_subcore>, window_params = [{transform_indices = #map}, {transform_indices = #map1}, {transform_indices = #map1}, {transform_indices = #map}, {transform_indices = #map2}]} {
    %mul3A = arith.constant 2 : i32
    %mul3A_0 = arith.muli %arg1, %mul3A : i32
    %add3A = arith.addi %mul3A_0, %arg0 : i32
    %mul3A_1 = arith.constant 10112 : i32
    %mul3A_2 = arith.muli %add3A, %mul3A_1 : i32
    %mul3A_3 = arith.constant 640 : i32
    %mul3A_4 = arith.muli %arg1, %mul3A_3 : i32
    "tpu.region"() ({
      %run_scoped3A = tpu.sem_alloc : memref<!tpu.dma_semaphore, #tpu.memory_space<semaphore_mem>>
      %dma_start3A_29 = arith.constant 0 : i32
      %dma_start3A_30 = tpu.memref_slice %arg13[%mul3A_4, %dma_start3A_29] : memref<10240x128xf32, #tpu.memory_space<vmem_shared>> -> memref<640x128xf32, #tpu.memory_space<vmem_shared>>
      tpu.enqueue_dma source(%arg5 : memref<640x128xf32, #tpu.memory_space<hbm>>) target(%dma_start3A_30 : memref<640x128xf32, #tpu.memory_space<vmem_shared>>) target_semaphore(%run_scoped3A : memref<!tpu.dma_semaphore, #tpu.memory_space<semaphore_mem>>)
      %dma_wait3A_31 = arith.constant 0 : i32
      %dma_wait3A_32 = tpu.memref_slice %arg13[%mul3A_4, %dma_wait3A_31] : memref<10240x128xf32, #tpu.memory_space<vmem_shared>> -> memref<640x128xf32, #tpu.memory_space<vmem_shared>>
      tpu.wait_dma2 semaphore(%run_scoped3A : memref<!tpu.dma_semaphore, #tpu.memory_space<semaphore_mem>>) src(%arg5 : memref<640x128xf32, #tpu.memory_space<hbm>>) dst(%dma_wait3A_32 : memref<640x128xf32, #tpu.memory_space<vmem_shared>>)
      tpu.yield
    }) : () -> ()
    %barrier3A = arith.constant 0 : index
    tpu.barrier barrier_id(%barrier3A)
    "tpu.region"() ({
      %run_scoped3A = tpu.sem_alloc : memref<!tpu.dma_semaphore, #tpu.memory_space<semaphore_mem>>
      %dma_start3A_29 = tpu.memref_slice %arg3[%mul3A_2] : memref<323584xi32, #tpu.memory_space<hbm>> -> memref<128xi32, #tpu.memory_space<hbm>>
      %dma_start3A_30 = tpu.memref_slice %arg3[%mul3A_2] : memref<323584xi32, #tpu.memory_space<hbm>> -> memref<128xi32, #tpu.memory_space<hbm>>
      tpu.enqueue_dma source(%dma_start3A_30 : memref<128xi32, #tpu.memory_space<hbm>>) target(%arg7 : memref<128xi32, #tpu.memory_space<vmem>>) target_semaphore(%run_scoped3A : memref<!tpu.dma_semaphore, #tpu.memory_space<semaphore_mem>>)
      %dma_wait3A_31 = tpu.memref_slice %arg3[%mul3A_2] : memref<323584xi32, #tpu.memory_space<hbm>> -> memref<128xi32, #tpu.memory_space<hbm>>
      %dma_wait3A_32 = tpu.memref_slice %arg3[%mul3A_2] : memref<323584xi32, #tpu.memory_space<hbm>> -> memref<128xi32, #tpu.memory_space<hbm>>
      tpu.wait_dma2 semaphore(%run_scoped3A : memref<!tpu.dma_semaphore, #tpu.memory_space<semaphore_mem>>) src(%dma_wait3A_32 : memref<128xi32, #tpu.memory_space<hbm>>) dst(%arg7 : memref<128xi32, #tpu.memory_space<vmem>>)
      tpu.yield
    }) : () -> ()
    %dma_start3A = arith.constant 0 : i32
    %dma_start3A_5 = arith.constant 0 : i32
    %dma_start3A_6 = tpu.memref_slice %arg2[%dma_start3A, %dma_start3A_5] : memref<10000x128xf32, #tpu.memory_space<hbm>> -> memref<10000x128xf32, #tpu.memory_space<hbm>>
    tpu.enqueue_indirect_dma source(%dma_start3A_6 : memref<10000x128xf32, #tpu.memory_space<hbm>>) target(%arg11 : memref<128x128xf32, #tpu.memory_space<vmem>>) offsets(%arg7 : memref<128xi32, #tpu.memory_space<vmem>>) semaphore(%arg14 : memref<!tpu.dma_semaphore, #tpu.memory_space<semaphore_mem>>)
    %add3A_7 = arith.constant 128 : i32
    %add3A_8 = arith.addi %mul3A_2, %add3A_7 : i32
    "tpu.region"() ({
      %run_scoped3A = tpu.sem_alloc : memref<!tpu.dma_semaphore, #tpu.memory_space<semaphore_mem>>
      %dma_start3A_29 = tpu.memref_slice %arg3[%add3A_8] : memref<323584xi32, #tpu.memory_space<hbm>> -> memref<128xi32, #tpu.memory_space<hbm>>
      %dma_start3A_30 = tpu.memref_slice %arg3[%add3A_8] : memref<323584xi32, #tpu.memory_space<hbm>> -> memref<128xi32, #tpu.memory_space<hbm>>
      tpu.enqueue_dma source(%dma_start3A_30 : memref<128xi32, #tpu.memory_space<hbm>>) target(%arg8 : memref<128xi32, #tpu.memory_space<vmem>>) target_semaphore(%run_scoped3A : memref<!tpu.dma_semaphore, #tpu.memory_space<semaphore_mem>>)
      %dma_wait3A_31 = tpu.memref_slice %arg3[%add3A_8] : memref<323584xi32, #tpu.memory_space<hbm>> -> memref<128xi32, #tpu.memory_space<hbm>>
      %dma_wait3A_32 = tpu.memref_slice %arg3[%add3A_8] : memref<323584xi32, #tpu.memory_space<hbm>> -> memref<128xi32, #tpu.memory_space<hbm>>
      tpu.wait_dma2 semaphore(%run_scoped3A : memref<!tpu.dma_semaphore, #tpu.memory_space<semaphore_mem>>) src(%dma_wait3A_32 : memref<128xi32, #tpu.memory_space<hbm>>) dst(%arg8 : memref<128xi32, #tpu.memory_space<vmem>>)
      tpu.yield
    }) : () -> ()
    %dma_start3A_9 = arith.constant 0 : i32
    %dma_start3A_10 = arith.constant 0 : i32
    %dma_start3A_11 = tpu.memref_slice %arg2[%dma_start3A_9, %dma_start3A_10] : memref<10000x128xf32, #tpu.memory_space<hbm>> -> memref<10000x128xf32, #tpu.memory_space<hbm>>
    tpu.enqueue_indirect_dma source(%dma_start3A_11 : memref<10000x128xf32, #tpu.memory_space<hbm>>) target(%arg12 : memref<128x128xf32, #tpu.memory_space<vmem>>) offsets(%arg8 : memref<128xi32, #tpu.memory_space<vmem>>) semaphore(%arg15 : memref<!tpu.dma_semaphore, #tpu.memory_space<semaphore_mem>>)
    %scan3A = arith.constant 0 : i32
    %scan3A_12 = arith.constant 0 : i32
    %scan3A_13 = arith.constant 38 : i32
    %scan3A_14 = arith.addi %scan3A_12, %scan3A_13 : i32
    %scan3A_15 = arith.constant 1 : i32
    scf.for %scan3A_29 = %scan3A_12 to %scan3A_14 step %scan3A_15  : i32 {
      %mul3A_30 = arith.constant 2 : i32
      %mul3A_31 = arith.muli %mul3A_30, %scan3A_29 : i32
      %mul3A_32 = arith.constant 128 : i32
      %mul3A_33 = arith.muli %mul3A_31, %mul3A_32 : i32
      %add3A_34 = arith.addi %mul3A_2, %mul3A_33 : i32
      "tpu.region"() ({
        %run_scoped3A = tpu.sem_alloc : memref<!tpu.dma_semaphore, #tpu.memory_space<semaphore_mem>>
        %dma_start3A_58 = tpu.memref_slice %arg4[%add3A_34] : memref<323584xi32, #tpu.memory_space<hbm>> -> memref<128xi32, #tpu.memory_space<hbm>>
        %dma_start3A_59 = tpu.memref_slice %arg4[%add3A_34] : memref<323584xi32, #tpu.memory_space<hbm>> -> memref<128xi32, #tpu.memory_space<hbm>>
        tpu.enqueue_dma source(%dma_start3A_59 : memref<128xi32, #tpu.memory_space<hbm>>) target(%arg9 : memref<128xi32, #tpu.memory_space<vmem>>) target_semaphore(%run_scoped3A : memref<!tpu.dma_semaphore, #tpu.memory_space<semaphore_mem>>)
        %dma_wait3A_60 = tpu.memref_slice %arg4[%add3A_34] : memref<323584xi32, #tpu.memory_space<hbm>> -> memref<128xi32, #tpu.memory_space<hbm>>
        %dma_wait3A_61 = tpu.memref_slice %arg4[%add3A_34] : memref<323584xi32, #tpu.memory_space<hbm>> -> memref<128xi32, #tpu.memory_space<hbm>>
        tpu.wait_dma2 semaphore(%run_scoped3A : memref<!tpu.dma_semaphore, #tpu.memory_space<semaphore_mem>>) src(%dma_wait3A_61 : memref<128xi32, #tpu.memory_space<hbm>>) dst(%arg9 : memref<128xi32, #tpu.memory_space<vmem>>)
        tpu.yield
      }) : () -> ()
      %dma_wait3A_35 = arith.constant 0 : i32
      %dma_wait3A_36 = arith.constant 0 : i32
      %dma_wait3A_37 = tpu.memref_slice %arg2[%dma_wait3A_35, %dma_wait3A_36] : memref<10000x128xf32, #tpu.memory_space<hbm>> -> memref<10000x128xf32, #tpu.memory_space<hbm>>
      tpu.wait_indirect_dma semaphore(%arg14 : memref<!tpu.dma_semaphore, #tpu.memory_space<semaphore_mem>>) src(%dma_wait3A_37 : memref<10000x128xf32, #tpu.memory_space<hbm>>) dst(%arg11 : memref<128x128xf32, #tpu.memory_space<vmem>>)
      "tpu.region"() ({
        %run_scoped3A = tpu.sem_alloc : memref<!tpu.dma_semaphore, #tpu.memory_space<semaphore_mem>>
        %dma_start3A_58 = arith.constant 0 : i32
        %dma_start3A_59 = arith.constant 0 : i32
        %dma_start3A_60 = tpu.memref_slice %arg13[%dma_start3A_58, %dma_start3A_59] : memref<10240x128xf32, #tpu.memory_space<vmem_shared>> -> memref<10240x128xf32, #tpu.memory_space<vmem_shared>>
        tpu.enqueue_indirect_dma source(%arg11 : memref<128x128xf32, #tpu.memory_space<vmem>>) target(%dma_start3A_60 : memref<10240x128xf32, #tpu.memory_space<vmem_shared>>) offsets(%arg9 : memref<128xi32, #tpu.memory_space<vmem>>) semaphore(%run_scoped3A : memref<!tpu.dma_semaphore, #tpu.memory_space<semaphore_mem>>) {add = true}
        %dma_wait3A_61 = arith.constant 0 : i32
        %dma_wait3A_62 = arith.constant 0 : i32
        %dma_wait3A_63 = tpu.memref_slice %arg13[%dma_wait3A_61, %dma_wait3A_62] : memref<10240x128xf32, #tpu.memory_space<vmem_shared>> -> memref<10240x128xf32, #tpu.memory_space<vmem_shared>>
        tpu.wait_indirect_dma semaphore(%run_scoped3A : memref<!tpu.dma_semaphore, #tpu.memory_space<semaphore_mem>>) src(%arg11 : memref<128x128xf32, #tpu.memory_space<vmem>>) dst(%dma_wait3A_63 : memref<10240x128xf32, #tpu.memory_space<vmem_shared>>)
        tpu.yield
      }) : () -> ()
      %add3A_38 = arith.constant 256 : i32
      %add3A_39 = arith.addi %add3A_34, %add3A_38 : i32
      "tpu.region"() ({
        %run_scoped3A = tpu.sem_alloc : memref<!tpu.dma_semaphore, #tpu.memory_space<semaphore_mem>>
        %dma_start3A_58 = tpu.memref_slice %arg3[%add3A_39] : memref<323584xi32, #tpu.memory_space<hbm>> -> memref<128xi32, #tpu.memory_space<hbm>>
        %dma_start3A_59 = tpu.memref_slice %arg3[%add3A_39] : memref<323584xi32, #tpu.memory_space<hbm>> -> memref<128xi32, #tpu.memory_space<hbm>>
        tpu.enqueue_dma source(%dma_start3A_59 : memref<128xi32, #tpu.memory_space<hbm>>) target(%arg7 : memref<128xi32, #tpu.memory_space<vmem>>) target_semaphore(%run_scoped3A : memref<!tpu.dma_semaphore, #tpu.memory_space<semaphore_mem>>)
        %dma_wait3A_60 = tpu.memref_slice %arg3[%add3A_39] : memref<323584xi32, #tpu.memory_space<hbm>> -> memref<128xi32, #tpu.memory_space<hbm>>
        %dma_wait3A_61 = tpu.memref_slice %arg3[%add3A_39] : memref<323584xi32, #tpu.memory_space<hbm>> -> memref<128xi32, #tpu.memory_space<hbm>>
        tpu.wait_dma2 semaphore(%run_scoped3A : memref<!tpu.dma_semaphore, #tpu.memory_space<semaphore_mem>>) src(%dma_wait3A_61 : memref<128xi32, #tpu.memory_space<hbm>>) dst(%arg7 : memref<128xi32, #tpu.memory_space<vmem>>)
        tpu.yield
      }) : () -> ()
      %dma_start3A_40 = arith.constant 0 : i32
      %dma_start3A_41 = arith.constant 0 : i32
      %dma_start3A_42 = tpu.memref_slice %arg2[%dma_start3A_40, %dma_start3A_41] : memref<10000x128xf32, #tpu.memory_space<hbm>> -> memref<10000x128xf32, #tpu.memory_space<hbm>>
      tpu.enqueue_indirect_dma source(%dma_start3A_42 : memref<10000x128xf32, #tpu.memory_space<hbm>>) target(%arg11 : memref<128x128xf32, #tpu.memory_space<vmem>>) offsets(%arg7 : memref<128xi32, #tpu.memory_space<vmem>>) semaphore(%arg14 : memref<!tpu.dma_semaphore, #tpu.memory_space<semaphore_mem>>)
      %mul3A_43 = arith.constant 2 : i32
      %mul3A_44 = arith.muli %mul3A_43, %scan3A_29 : i32
      %add3A_45 = arith.constant 1 : i32
      %add3A_46 = arith.addi %mul3A_44, %add3A_45 : i32
      %mul3A_47 = arith.constant 128 : i32
      %mul3A_48 = arith.muli %add3A_46, %mul3A_47 : i32
      %add3A_49 = arith.addi %mul3A_2, %mul3A_48 : i32
      "tpu.region"() ({
        %run_scoped3A = tpu.sem_alloc : memref<!tpu.dma_semaphore, #tpu.memory_space<semaphore_mem>>
        %dma_start3A_58 = tpu.memref_slice %arg4[%add3A_49] : memref<323584xi32, #tpu.memory_space<hbm>> -> memref<128xi32, #tpu.memory_space<hbm>>
        %dma_start3A_59 = tpu.memref_slice %arg4[%add3A_49] : memref<323584xi32, #tpu.memory_space<hbm>> -> memref<128xi32, #tpu.memory_space<hbm>>
        tpu.enqueue_dma source(%dma_start3A_59 : memref<128xi32, #tpu.memory_space<hbm>>) target(%arg10 : memref<128xi32, #tpu.memory_space<vmem>>) target_semaphore(%run_scoped3A : memref<!tpu.dma_semaphore, #tpu.memory_space<semaphore_mem>>)
        %dma_wait3A_60 = tpu.memref_slice %arg4[%add3A_49] : memref<323584xi32, #tpu.memory_space<hbm>> -> memref<128xi32, #tpu.memory_space<hbm>>
        %dma_wait3A_61 = tpu.memref_slice %arg4[%add3A_49] : memref<323584xi32, #tpu.memory_space<hbm>> -> memref<128xi32, #tpu.memory_space<hbm>>
        tpu.wait_dma2 semaphore(%run_scoped3A : memref<!tpu.dma_semaphore, #tpu.memory_space<semaphore_mem>>) src(%dma_wait3A_61 : memref<128xi32, #tpu.memory_space<hbm>>) dst(%arg10 : memref<128xi32, #tpu.memory_space<vmem>>)
        tpu.yield
      }) : () -> ()
      %dma_wait3A_50 = arith.constant 0 : i32
      %dma_wait3A_51 = arith.constant 0 : i32
      %dma_wait3A_52 = tpu.memref_slice %arg2[%dma_wait3A_50, %dma_wait3A_51] : memref<10000x128xf32, #tpu.memory_space<hbm>> -> memref<10000x128xf32, #tpu.memory_space<hbm>>
      tpu.wait_indirect_dma semaphore(%arg15 : memref<!tpu.dma_semaphore, #tpu.memory_space<semaphore_mem>>) src(%dma_wait3A_52 : memref<10000x128xf32, #tpu.memory_space<hbm>>) dst(%arg12 : memref<128x128xf32, #tpu.memory_space<vmem>>)
      "tpu.region"() ({
        %run_scoped3A = tpu.sem_alloc : memref<!tpu.dma_semaphore, #tpu.memory_space<semaphore_mem>>
        %dma_start3A_58 = arith.constant 0 : i32
        %dma_start3A_59 = arith.constant 0 : i32
        %dma_start3A_60 = tpu.memref_slice %arg13[%dma_start3A_58, %dma_start3A_59] : memref<10240x128xf32, #tpu.memory_space<vmem_shared>> -> memref<10240x128xf32, #tpu.memory_space<vmem_shared>>
        tpu.enqueue_indirect_dma source(%arg12 : memref<128x128xf32, #tpu.memory_space<vmem>>) target(%dma_start3A_60 : memref<10240x128xf32, #tpu.memory_space<vmem_shared>>) offsets(%arg10 : memref<128xi32, #tpu.memory_space<vmem>>) semaphore(%run_scoped3A : memref<!tpu.dma_semaphore, #tpu.memory_space<semaphore_mem>>) {add = true}
        %dma_wait3A_61 = arith.constant 0 : i32
        %dma_wait3A_62 = arith.constant 0 : i32
        %dma_wait3A_63 = tpu.memref_slice %arg13[%dma_wait3A_61, %dma_wait3A_62] : memref<10240x128xf32, #tpu.memory_space<vmem_shared>> -> memref<10240x128xf32, #tpu.memory_space<vmem_shared>>
        tpu.wait_indirect_dma semaphore(%run_scoped3A : memref<!tpu.dma_semaphore, #tpu.memory_space<semaphore_mem>>) src(%arg12 : memref<128x128xf32, #tpu.memory_space<vmem>>) dst(%dma_wait3A_63 : memref<10240x128xf32, #tpu.memory_space<vmem_shared>>)
        tpu.yield
      }) : () -> ()
      %add3A_53 = arith.constant 256 : i32
      %add3A_54 = arith.addi %add3A_49, %add3A_53 : i32
      "tpu.region"() ({
        %run_scoped3A = tpu.sem_alloc : memref<!tpu.dma_semaphore, #tpu.memory_space<semaphore_mem>>
        %dma_start3A_58 = tpu.memref_slice %arg3[%add3A_54] : memref<323584xi32, #tpu.memory_space<hbm>> -> memref<128xi32, #tpu.memory_space<hbm>>
        %dma_start3A_59 = tpu.memref_slice %arg3[%add3A_54] : memref<323584xi32, #tpu.memory_space<hbm>> -> memref<128xi32, #tpu.memory_space<hbm>>
        tpu.enqueue_dma source(%dma_start3A_59 : memref<128xi32, #tpu.memory_space<hbm>>) target(%arg8 : memref<128xi32, #tpu.memory_space<vmem>>) target_semaphore(%run_scoped3A : memref<!tpu.dma_semaphore, #tpu.memory_space<semaphore_mem>>)
        %dma_wait3A_60 = tpu.memref_slice %arg3[%add3A_54] : memref<323584xi32, #tpu.memory_space<hbm>> -> memref<128xi32, #tpu.memory_space<hbm>>
        %dma_wait3A_61 = tpu.memref_slice %arg3[%add3A_54] : memref<323584xi32, #tpu.memory_space<hbm>> -> memref<128xi32, #tpu.memory_space<hbm>>
        tpu.wait_dma2 semaphore(%run_scoped3A : memref<!tpu.dma_semaphore, #tpu.memory_space<semaphore_mem>>) src(%dma_wait3A_61 : memref<128xi32, #tpu.memory_space<hbm>>) dst(%arg8 : memref<128xi32, #tpu.memory_space<vmem>>)
        tpu.yield
      }) : () -> ()
      %dma_start3A_55 = arith.constant 0 : i32
      %dma_start3A_56 = arith.constant 0 : i32
      %dma_start3A_57 = tpu.memref_slice %arg2[%dma_start3A_55, %dma_start3A_56] : memref<10000x128xf32, #tpu.memory_space<hbm>> -> memref<10000x128xf32, #tpu.memory_space<hbm>>
      tpu.enqueue_indirect_dma source(%dma_start3A_57 : memref<10000x128xf32, #tpu.memory_space<hbm>>) target(%arg12 : memref<128x128xf32, #tpu.memory_space<vmem>>) offsets(%arg8 : memref<128xi32, #tpu.memory_space<vmem>>) semaphore(%arg15 : memref<!tpu.dma_semaphore, #tpu.memory_space<semaphore_mem>>)
    }
    %scan3A_16 = arith.constant 38 : i32
    %add3A_17 = arith.constant 9856 : i32
    %add3A_18 = arith.addi %mul3A_2, %add3A_17 : i32
    "tpu.region"() ({
      %run_scoped3A = tpu.sem_alloc : memref<!tpu.dma_semaphore, #tpu.memory_space<semaphore_mem>>
      %dma_start3A_29 = tpu.memref_slice %arg4[%add3A_18] : memref<323584xi32, #tpu.memory_space<hbm>> -> memref<128xi32, #tpu.memory_space<hbm>>
      %dma_start3A_30 = tpu.memref_slice %arg4[%add3A_18] : memref<323584xi32, #tpu.memory_space<hbm>> -> memref<128xi32, #tpu.memory_space<hbm>>
      tpu.enqueue_dma source(%dma_start3A_30 : memref<128xi32, #tpu.memory_space<hbm>>) target(%arg9 : memref<128xi32, #tpu.memory_space<vmem>>) target_semaphore(%run_scoped3A : memref<!tpu.dma_semaphore, #tpu.memory_space<semaphore_mem>>)
      %dma_wait3A_31 = tpu.memref_slice %arg4[%add3A_18] : memref<323584xi32, #tpu.memory_space<hbm>> -> memref<128xi32, #tpu.memory_space<hbm>>
      %dma_wait3A_32 = tpu.memref_slice %arg4[%add3A_18] : memref<323584xi32, #tpu.memory_space<hbm>> -> memref<128xi32, #tpu.memory_space<hbm>>
      tpu.wait_dma2 semaphore(%run_scoped3A : memref<!tpu.dma_semaphore, #tpu.memory_space<semaphore_mem>>) src(%dma_wait3A_32 : memref<128xi32, #tpu.memory_space<hbm>>) dst(%arg9 : memref<128xi32, #tpu.memory_space<vmem>>)
      tpu.yield
    }) : () -> ()
    %dma_wait3A = arith.constant 0 : i32
    %dma_wait3A_19 = arith.constant 0 : i32
    %dma_wait3A_20 = tpu.memref_slice %arg2[%dma_wait3A, %dma_wait3A_19] : memref<10000x128xf32, #tpu.memory_space<hbm>> -> memref<10000x128xf32, #tpu.memory_space<hbm>>
    tpu.wait_indirect_dma semaphore(%arg14 : memref<!tpu.dma_semaphore, #tpu.memory_space<semaphore_mem>>) src(%dma_wait3A_20 : memref<10000x128xf32, #tpu.memory_space<hbm>>) dst(%arg11 : memref<128x128xf32, #tpu.memory_space<vmem>>)
    "tpu.region"() ({
      %run_scoped3A = tpu.sem_alloc : memref<!tpu.dma_semaphore, #tpu.memory_space<semaphore_mem>>
      %dma_start3A_29 = arith.constant 0 : i32
      %dma_start3A_30 = arith.constant 0 : i32
      %dma_start3A_31 = tpu.memref_slice %arg13[%dma_start3A_29, %dma_start3A_30] : memref<10240x128xf32, #tpu.memory_space<vmem_shared>> -> memref<10240x128xf32, #tpu.memory_space<vmem_shared>>
      tpu.enqueue_indirect_dma source(%arg11 : memref<128x128xf32, #tpu.memory_space<vmem>>) target(%dma_start3A_31 : memref<10240x128xf32, #tpu.memory_space<vmem_shared>>) offsets(%arg9 : memref<128xi32, #tpu.memory_space<vmem>>) semaphore(%run_scoped3A : memref<!tpu.dma_semaphore, #tpu.memory_space<semaphore_mem>>) {add = true}
      %dma_wait3A_32 = arith.constant 0 : i32
      %dma_wait3A_33 = arith.constant 0 : i32
      %dma_wait3A_34 = tpu.memref_slice %arg13[%dma_wait3A_32, %dma_wait3A_33] : memref<10240x128xf32, #tpu.memory_space<vmem_shared>> -> memref<10240x128xf32, #tpu.memory_space<vmem_shared>>
      tpu.wait_indirect_dma semaphore(%run_scoped3A : memref<!tpu.dma_semaphore, #tpu.memory_space<semaphore_mem>>) src(%arg11 : memref<128x128xf32, #tpu.memory_space<vmem>>) dst(%dma_wait3A_34 : memref<10240x128xf32, #tpu.memory_space<vmem_shared>>)
      tpu.yield
    }) : () -> ()
    %add3A_21 = arith.constant 9984 : i32
    %add3A_22 = arith.addi %mul3A_2, %add3A_21 : i32
    "tpu.region"() ({
      %run_scoped3A = tpu.sem_alloc : memref<!tpu.dma_semaphore, #tpu.memory_space<semaphore_mem>>
      %dma_start3A_29 = tpu.memref_slice %arg4[%add3A_22] : memref<323584xi32, #tpu.memory_space<hbm>> -> memref<128xi32, #tpu.memory_space<hbm>>
      %dma_start3A_30 = tpu.memref_slice %arg4[%add3A_22] : memref<323584xi32, #tpu.memory_space<hbm>> -> memref<128xi32, #tpu.memory_space<hbm>>
      tpu.enqueue_dma source(%dma_start3A_30 : memref<128xi32, #tpu.memory_space<hbm>>) target(%arg10 : memref<128xi32, #tpu.memory_space<vmem>>) target_semaphore(%run_scoped3A : memref<!tpu.dma_semaphore, #tpu.memory_space<semaphore_mem>>)
      %dma_wait3A_31 = tpu.memref_slice %arg4[%add3A_22] : memref<323584xi32, #tpu.memory_space<hbm>> -> memref<128xi32, #tpu.memory_space<hbm>>
      %dma_wait3A_32 = tpu.memref_slice %arg4[%add3A_22] : memref<323584xi32, #tpu.memory_space<hbm>> -> memref<128xi32, #tpu.memory_space<hbm>>
      tpu.wait_dma2 semaphore(%run_scoped3A : memref<!tpu.dma_semaphore, #tpu.memory_space<semaphore_mem>>) src(%dma_wait3A_32 : memref<128xi32, #tpu.memory_space<hbm>>) dst(%arg10 : memref<128xi32, #tpu.memory_space<vmem>>)
      tpu.yield
    }) : () -> ()
    %dma_wait3A_23 = arith.constant 0 : i32
    %dma_wait3A_24 = arith.constant 0 : i32
    %dma_wait3A_25 = tpu.memref_slice %arg2[%dma_wait3A_23, %dma_wait3A_24] : memref<10000x128xf32, #tpu.memory_space<hbm>> -> memref<10000x128xf32, #tpu.memory_space<hbm>>
    tpu.wait_indirect_dma semaphore(%arg15 : memref<!tpu.dma_semaphore, #tpu.memory_space<semaphore_mem>>) src(%dma_wait3A_25 : memref<10000x128xf32, #tpu.memory_space<hbm>>) dst(%arg12 : memref<128x128xf32, #tpu.memory_space<vmem>>)
    "tpu.region"() ({
      %run_scoped3A = tpu.sem_alloc : memref<!tpu.dma_semaphore, #tpu.memory_space<semaphore_mem>>
      %dma_start3A_29 = arith.constant 0 : i32
      %dma_start3A_30 = arith.constant 0 : i32
      %dma_start3A_31 = tpu.memref_slice %arg13[%dma_start3A_29, %dma_start3A_30] : memref<10240x128xf32, #tpu.memory_space<vmem_shared>> -> memref<10240x128xf32, #tpu.memory_space<vmem_shared>>
      tpu.enqueue_indirect_dma source(%arg12 : memref<128x128xf32, #tpu.memory_space<vmem>>) target(%dma_start3A_31 : memref<10240x128xf32, #tpu.memory_space<vmem_shared>>) offsets(%arg10 : memref<128xi32, #tpu.memory_space<vmem>>) semaphore(%run_scoped3A : memref<!tpu.dma_semaphore, #tpu.memory_space<semaphore_mem>>) {add = true}
      %dma_wait3A_32 = arith.constant 0 : i32
      %dma_wait3A_33 = arith.constant 0 : i32
      %dma_wait3A_34 = tpu.memref_slice %arg13[%dma_wait3A_32, %dma_wait3A_33] : memref<10240x128xf32, #tpu.memory_space<vmem_shared>> -> memref<10240x128xf32, #tpu.memory_space<vmem_shared>>
      tpu.wait_indirect_dma semaphore(%run_scoped3A : memref<!tpu.dma_semaphore, #tpu.memory_space<semaphore_mem>>) src(%arg12 : memref<128x128xf32, #tpu.memory_space<vmem>>) dst(%dma_wait3A_34 : memref<10240x128xf32, #tpu.memory_space<vmem_shared>>)
      tpu.yield
    }) : () -> ()
    %barrier3A_26 = arith.constant 0 : index
    tpu.barrier barrier_id(%barrier3A_26)
    %mul3A_27 = arith.constant 640 : i32
    %mul3A_28 = arith.muli %arg1, %mul3A_27 : i32
    "tpu.region"() ({
      %run_scoped3A = tpu.sem_alloc : memref<!tpu.dma_semaphore, #tpu.memory_space<semaphore_mem>>
      %dma_start3A_29 = arith.constant 0 : i32
      %dma_start3A_30 = tpu.memref_slice %arg6[%arg0, %mul3A_28, %dma_start3A_29] : memref<2x10240x128xf32, #tpu.memory_space<hbm>> -> memref<1x640x128xf32, #tpu.memory_space<hbm>>
      %dma_start3A_31 = tpu.memref_squeeze %dma_start3A_30 : memref<1x640x128xf32, #tpu.memory_space<hbm>> -> memref<640x128xf32, #tpu.memory_space<hbm>>
      %dma_start3A_32 = arith.constant 0 : i32
      %dma_start3A_33 = tpu.memref_slice %arg13[%mul3A_28, %dma_start3A_32] : memref<10240x128xf32, #tpu.memory_space<vmem_shared>> -> memref<640x128xf32, #tpu.memory_space<vmem_shared>>
      tpu.enqueue_dma source(%dma_start3A_33 : memref<640x128xf32, #tpu.memory_space<vmem_shared>>) target(%dma_start3A_31 : memref<640x128xf32, #tpu.memory_space<hbm>>) target_semaphore(%run_scoped3A : memref<!tpu.dma_semaphore, #tpu.memory_space<semaphore_mem>>)
      %dma_wait3A_34 = arith.constant 0 : i32
      %dma_wait3A_35 = tpu.memref_slice %arg6[%arg0, %mul3A_28, %dma_wait3A_34] : memref<2x10240x128xf32, #tpu.memory_space<hbm>> -> memref<1x640x128xf32, #tpu.memory_space<hbm>>
      %dma_wait3A_36 = tpu.memref_squeeze %dma_wait3A_35 : memref<1x640x128xf32, #tpu.memory_space<hbm>> -> memref<640x128xf32, #tpu.memory_space<hbm>>
      %dma_wait3A_37 = arith.constant 0 : i32
      %dma_wait3A_38 = tpu.memref_slice %arg13[%mul3A_28, %dma_wait3A_37] : memref<10240x128xf32, #tpu.memory_space<vmem_shared>> -> memref<640x128xf32, #tpu.memory_space<vmem_shared>>
      tpu.wait_dma2 semaphore(%run_scoped3A : memref<!tpu.dma_semaphore, #tpu.memory_space<semaphore_mem>>) src(%dma_wait3A_38 : memref<640x128xf32, #tpu.memory_space<vmem_shared>>) dst(%dma_wait3A_36 : memref<640x128xf32, #tpu.memory_space<hbm>>)
      tpu.yield
    }) : () -> ()
    return
  }
}

module attributes {stable_mosaic.version = 14 : i64} {
  func.func @_tc_dense_body(%arg0: memref<10000x128xf32, #tpu.memory_space<vmem>>, %arg1: memref<2x10240x128xf32, #tpu.memory_space<vmem>>, %arg2: memref<128x128xf32, #tpu.memory_space<vmem>>, %arg3: memref<128x128xf32, #tpu.memory_space<vmem>>, %arg4: memref<8x128xf32, #tpu.memory_space<vmem>>, %arg5: memref<10000x128xf32, #tpu.memory_space<vmem>>) attributes {dimension_semantics = [], scalar_prefetch = 0 : i64, scratch_operands = 0 : i64, tpu.core_type = #tpu.core_type<tc>} {
    %get3A = arith.constant 0 : index
    %get3A_0 = arith.constant 0 : index
    %get3A_1 = arith.constant 0 : index
    %get3A_2 = vector.load %arg1[%get3A, %get3A_0, %get3A_1] : memref<2x10240x128xf32, #tpu.memory_space<vmem>>, vector<1x10000x128xf32>
    %get3A_3 = vector.shape_cast %get3A_2 : vector<1x10000x128xf32> to vector<10000x128xf32>
    %get3A_4 = arith.constant 1 : index
    %get3A_5 = arith.constant 0 : index
    %get3A_6 = arith.constant 0 : index
    %get3A_7 = vector.load %arg1[%get3A_4, %get3A_5, %get3A_6] : memref<2x10240x128xf32, #tpu.memory_space<vmem>>, vector<1x10000x128xf32>
    %get3A_8 = vector.shape_cast %get3A_7 : vector<1x10000x128xf32> to vector<10000x128xf32>
    %add3A = arith.addf %get3A_3, %get3A_8 : vector<10000x128xf32>
    %get3A_9 = arith.constant 6 : index
    %get3A_10 = arith.constant 0 : index
    %get3A_11 = vector.load %arg4[%get3A_9, %get3A_10] : memref<8x128xf32, #tpu.memory_space<vmem>>, vector<1x128xf32>
    %add3A_12 = arith.constant 1.000000e+00 : f32
    %add3A_13 = vector.broadcast %add3A_12 : f32 to vector<1x128xf32>
    %add3A_14 = arith.addf %add3A_13, %get3A_11 : vector<1x128xf32>
    %get3A_15 = arith.constant 0 : index
    %get3A_16 = arith.constant 0 : index
    %get3A_17 = vector.load %arg0[%get3A_15, %get3A_16] : memref<10000x128xf32, #tpu.memory_space<vmem>>, vector<10000x128xf32>
    %mul3A = vector.broadcast %add3A_14 : vector<1x128xf32> to vector<10000x128xf32>
    %mul3A_18 = arith.mulf %mul3A, %get3A_17 : vector<10000x128xf32>
    %add3A_19 = arith.addf %mul3A_18, %add3A : vector<10000x128xf32>
    %get3A_20 = arith.constant 0 : index
    %get3A_21 = arith.constant 0 : index
    %get3A_22 = vector.load %arg2[%get3A_20, %get3A_21] : memref<128x128xf32, #tpu.memory_space<vmem>>, vector<128x128xf32>
    %dot_general3A = arith.constant dense<0.000000e+00> : vector<10000x128xf32>
    %dot_general3A_23 = tpu.matmul %add3A_19, %get3A_22, %dot_general3A {dimension_numbers = #tpu.dot_dimension_numbers<[1], [0], [0], [1], [0, 0, 1, 1], [], []>, transpose_lhs_hint = false} : vector<10000x128xf32>, vector<128x128xf32>, vector<10000x128xf32> -> vector<10000x128xf32>
    %reduce_sum3A = arith.constant dense<0.000000e+00> : vector<128xf32>
    %reduce_sum3A_24 = vector.multi_reduction <add>, %dot_general3A_23, %reduce_sum3A [0] : vector<10000x128xf32> to vector<128xf32>
    %broadcast_in_dim3A = vector.shape_cast %reduce_sum3A_24 : vector<128xf32> to vector<1x128xf32>
    %div3A = arith.constant 1.000000e+04 : f32
    %div3A_25 = vector.broadcast %div3A : f32 to vector<1x128xf32>
    %div3A_26 = arith.divf %broadcast_in_dim3A, %div3A_25 : vector<1x128xf32>
    %sub3A = vector.broadcast %div3A_26 : vector<1x128xf32> to vector<10000x128xf32>
    %sub3A_27 = arith.subf %dot_general3A_23, %sub3A : vector<10000x128xf32>
    %mul3A_28 = arith.mulf %sub3A_27, %sub3A_27 : vector<10000x128xf32>
    %reduce_sum3A_29 = arith.constant dense<0.000000e+00> : vector<128xf32>
    %reduce_sum3A_30 = vector.multi_reduction <add>, %mul3A_28, %reduce_sum3A_29 [0] : vector<10000x128xf32> to vector<128xf32>
    %broadcast_in_dim3A_31 = vector.shape_cast %reduce_sum3A_30 : vector<128xf32> to vector<1x128xf32>
    %div3A_32 = arith.constant 1.000000e+04 : f32
    %div3A_33 = vector.broadcast %div3A_32 : f32 to vector<1x128xf32>
    %div3A_34 = arith.divf %broadcast_in_dim3A_31, %div3A_33 : vector<1x128xf32>
    %add3A_35 = arith.constant 9.99999974E-6 : f32
    %add3A_36 = vector.broadcast %add3A_35 : f32 to vector<1x128xf32>
    %add3A_37 = arith.addf %div3A_34, %add3A_36 : vector<1x128xf32>
    %rsqrt3A = math.rsqrt %add3A_37 : vector<1x128xf32>
    %mul3A_38 = vector.broadcast %rsqrt3A : vector<1x128xf32> to vector<10000x128xf32>
    %mul3A_39 = arith.mulf %sub3A_27, %mul3A_38 : vector<10000x128xf32>
    %get3A_40 = arith.constant 0 : index
    %get3A_41 = arith.constant 0 : index
    %get3A_42 = vector.load %arg4[%get3A_40, %get3A_41] : memref<8x128xf32, #tpu.memory_space<vmem>>, vector<1x128xf32>
    %mul3A_43 = vector.broadcast %get3A_42 : vector<1x128xf32> to vector<10000x128xf32>
    %mul3A_44 = arith.mulf %mul3A_39, %mul3A_43 : vector<10000x128xf32>
    %get3A_45 = arith.constant 1 : index
    %get3A_46 = arith.constant 0 : index
    %get3A_47 = vector.load %arg4[%get3A_45, %get3A_46] : memref<8x128xf32, #tpu.memory_space<vmem>>, vector<1x128xf32>
    %add3A_48 = vector.broadcast %get3A_47 : vector<1x128xf32> to vector<10000x128xf32>
    %add3A_49 = arith.addf %mul3A_44, %add3A_48 : vector<10000x128xf32>
    %max3A = arith.constant 0.000000e+00 : f32
    %max3A_50 = vector.broadcast %max3A : f32 to vector<10000x128xf32>
    %max3A_51 = arith.maximumf %add3A_49, %max3A_50 : vector<10000x128xf32>
    %get3A_52 = arith.constant 0 : index
    %get3A_53 = arith.constant 0 : index
    %get3A_54 = vector.load %arg3[%get3A_52, %get3A_53] : memref<128x128xf32, #tpu.memory_space<vmem>>, vector<128x128xf32>
    %dot_general3A_55 = arith.constant dense<0.000000e+00> : vector<10000x128xf32>
    %dot_general3A_56 = tpu.matmul %max3A_51, %get3A_54, %dot_general3A_55 {dimension_numbers = #tpu.dot_dimension_numbers<[1], [0], [0], [1], [0, 0, 1, 1], [], []>, transpose_lhs_hint = false} : vector<10000x128xf32>, vector<128x128xf32>, vector<10000x128xf32> -> vector<10000x128xf32>
    %reduce_sum3A_57 = arith.constant dense<0.000000e+00> : vector<128xf32>
    %reduce_sum3A_58 = vector.multi_reduction <add>, %dot_general3A_56, %reduce_sum3A_57 [0] : vector<10000x128xf32> to vector<128xf32>
    %broadcast_in_dim3A_59 = vector.shape_cast %reduce_sum3A_58 : vector<128xf32> to vector<1x128xf32>
    %div3A_60 = arith.constant 1.000000e+04 : f32
    %div3A_61 = vector.broadcast %div3A_60 : f32 to vector<1x128xf32>
    %div3A_62 = arith.divf %broadcast_in_dim3A_59, %div3A_61 : vector<1x128xf32>
    %sub3A_63 = vector.broadcast %div3A_62 : vector<1x128xf32> to vector<10000x128xf32>
    %sub3A_64 = arith.subf %dot_general3A_56, %sub3A_63 : vector<10000x128xf32>
    %mul3A_65 = arith.mulf %sub3A_64, %sub3A_64 : vector<10000x128xf32>
    %reduce_sum3A_66 = arith.constant dense<0.000000e+00> : vector<128xf32>
    %reduce_sum3A_67 = vector.multi_reduction <add>, %mul3A_65, %reduce_sum3A_66 [0] : vector<10000x128xf32> to vector<128xf32>
    %broadcast_in_dim3A_68 = vector.shape_cast %reduce_sum3A_67 : vector<128xf32> to vector<1x128xf32>
    %div3A_69 = arith.constant 1.000000e+04 : f32
    %div3A_70 = vector.broadcast %div3A_69 : f32 to vector<1x128xf32>
    %div3A_71 = arith.divf %broadcast_in_dim3A_68, %div3A_70 : vector<1x128xf32>
    %add3A_72 = arith.constant 9.99999974E-6 : f32
    %add3A_73 = vector.broadcast %add3A_72 : f32 to vector<1x128xf32>
    %add3A_74 = arith.addf %div3A_71, %add3A_73 : vector<1x128xf32>
    %rsqrt3A_75 = math.rsqrt %add3A_74 : vector<1x128xf32>
    %mul3A_76 = vector.broadcast %rsqrt3A_75 : vector<1x128xf32> to vector<10000x128xf32>
    %mul3A_77 = arith.mulf %sub3A_64, %mul3A_76 : vector<10000x128xf32>
    %get3A_78 = arith.constant 2 : index
    %get3A_79 = arith.constant 0 : index
    %get3A_80 = vector.load %arg4[%get3A_78, %get3A_79] : memref<8x128xf32, #tpu.memory_space<vmem>>, vector<1x128xf32>
    %mul3A_81 = vector.broadcast %get3A_80 : vector<1x128xf32> to vector<10000x128xf32>
    %mul3A_82 = arith.mulf %mul3A_77, %mul3A_81 : vector<10000x128xf32>
    %get3A_83 = arith.constant 3 : index
    %get3A_84 = arith.constant 0 : index
    %get3A_85 = vector.load %arg4[%get3A_83, %get3A_84] : memref<8x128xf32, #tpu.memory_space<vmem>>, vector<1x128xf32>
    %add3A_86 = vector.broadcast %get3A_85 : vector<1x128xf32> to vector<10000x128xf32>
    %add3A_87 = arith.addf %mul3A_82, %add3A_86 : vector<10000x128xf32>
    %max3A_88 = arith.constant 0.000000e+00 : f32
    %max3A_89 = vector.broadcast %max3A_88 : f32 to vector<10000x128xf32>
    %max3A_90 = arith.maximumf %add3A_87, %max3A_89 : vector<10000x128xf32>
    %reduce_sum3A_91 = arith.constant dense<0.000000e+00> : vector<128xf32>
    %reduce_sum3A_92 = vector.multi_reduction <add>, %max3A_90, %reduce_sum3A_91 [0] : vector<10000x128xf32> to vector<128xf32>
    %broadcast_in_dim3A_93 = vector.shape_cast %reduce_sum3A_92 : vector<128xf32> to vector<1x128xf32>
    %div3A_94 = arith.constant 1.000000e+04 : f32
    %div3A_95 = vector.broadcast %div3A_94 : f32 to vector<1x128xf32>
    %div3A_96 = arith.divf %broadcast_in_dim3A_93, %div3A_95 : vector<1x128xf32>
    %sub3A_97 = vector.broadcast %div3A_96 : vector<1x128xf32> to vector<10000x128xf32>
    %sub3A_98 = arith.subf %max3A_90, %sub3A_97 : vector<10000x128xf32>
    %mul3A_99 = arith.mulf %sub3A_98, %sub3A_98 : vector<10000x128xf32>
    %reduce_sum3A_100 = arith.constant dense<0.000000e+00> : vector<128xf32>
    %reduce_sum3A_101 = vector.multi_reduction <add>, %mul3A_99, %reduce_sum3A_100 [0] : vector<10000x128xf32> to vector<128xf32>
    %broadcast_in_dim3A_102 = vector.shape_cast %reduce_sum3A_101 : vector<128xf32> to vector<1x128xf32>
    %div3A_103 = arith.constant 1.000000e+04 : f32
    %div3A_104 = vector.broadcast %div3A_103 : f32 to vector<1x128xf32>
    %div3A_105 = arith.divf %broadcast_in_dim3A_102, %div3A_104 : vector<1x128xf32>
    %add3A_106 = arith.constant 9.99999974E-6 : f32
    %add3A_107 = vector.broadcast %add3A_106 : f32 to vector<1x128xf32>
    %add3A_108 = arith.addf %div3A_105, %add3A_107 : vector<1x128xf32>
    %rsqrt3A_109 = math.rsqrt %add3A_108 : vector<1x128xf32>
    %mul3A_110 = vector.broadcast %rsqrt3A_109 : vector<1x128xf32> to vector<10000x128xf32>
    %mul3A_111 = arith.mulf %sub3A_98, %mul3A_110 : vector<10000x128xf32>
    %get3A_112 = arith.constant 4 : index
    %get3A_113 = arith.constant 0 : index
    %get3A_114 = vector.load %arg4[%get3A_112, %get3A_113] : memref<8x128xf32, #tpu.memory_space<vmem>>, vector<1x128xf32>
    %mul3A_115 = vector.broadcast %get3A_114 : vector<1x128xf32> to vector<10000x128xf32>
    %mul3A_116 = arith.mulf %mul3A_111, %mul3A_115 : vector<10000x128xf32>
    %get3A_117 = arith.constant 5 : index
    %get3A_118 = arith.constant 0 : index
    %get3A_119 = vector.load %arg4[%get3A_117, %get3A_118] : memref<8x128xf32, #tpu.memory_space<vmem>>, vector<1x128xf32>
    %add3A_120 = vector.broadcast %get3A_119 : vector<1x128xf32> to vector<10000x128xf32>
    %add3A_121 = arith.addf %mul3A_116, %add3A_120 : vector<10000x128xf32>
    %max3A_122 = arith.constant 0.000000e+00 : f32
    %max3A_123 = vector.broadcast %max3A_122 : f32 to vector<10000x128xf32>
    %max3A_124 = arith.maximumf %add3A_121, %max3A_123 : vector<10000x128xf32>
    %swap3A = arith.constant 0 : index
    %swap3A_125 = arith.constant 0 : index
    %swap3A_126 = vector.load %arg5[%swap3A, %swap3A_125] : memref<10000x128xf32, #tpu.memory_space<vmem>>, vector<10000x128xf32>
    tpu.vector_store %arg5[%swap3A, %swap3A_125], %max3A_124 {strides = array<i32>} : memref<10000x128xf32, #tpu.memory_space<vmem>>, vector<10000x128xf32>,
    return
  }
}

</mosaic_0001>

<sc_bundles>
// kernel: kernel.6.cloned.1.call-start
scs
__scs_entry_jumppad:
0x0: {  	(pc) =	sbr.rel $0x88, $3  }
0x1: {  	(tag) =	ssettag $0x0;
	lr =	simm.s32 $0x1  }
0x2: {  	[smem:$0x3F8D] =	sst lr;
	_ =	strace $0xD0000000  }
0x3: {  	_ = 	snop  }
0x4: {  	_ = 	snop  }
0x5: {  	_ = 	snop  }
0x6: {  	_ = 	snop  }
0x7: {  	_ = 	snop  }
__scs_overlays_trampoline_lowered:
0x8: {  	[smem:$0x3F9C] =	sst s0  }
0x9: {  	[smem:$0x3F9D] =	sst s1  }
0xa: {  	[smem:$0x3F9E] =	sst s2  }
0xb: {  	[smem:$0x3F9F] =	sst s3  }
0xc: {  	[smem:$0x3FA0] =	sst s4  }
0xd: {  	[smem:$0x3FA1] =	sst s5  }
0xe: {  	[smem:$0x3FA2] =	sst s6  }
0xf: {  	[smem:$0x3FA3] =	sst s7  }
0x10: {  	[smem:$0x3FA4] =	sst s8  }
0x11: {  	[smem:$0x3FA5] =	sst s9;
	s0 =	simm.s32 @!p0 $0x0  }
0x12: {  	s1 =	sld [smem:$0x3F8B];
	s0 =	simm.s32 @p0 $0x1  }
0x13: {  	[smem:$0x3FA6] =	sst s0;
	s0 =	simm.s32 @!p1 $0x0  }
0x14: {  	s2 =	sld [smem:$0x3F8A];
	s0 =	simm.s32 @p1 $0x1  }
0x15: {  	[smem:$0x3FA7] =	sst s0;
	s0 =	simm.s32 @!p2 $0x0  }
0x16: {  	s3 =	sld [smem:$0x3FDB];
	s0 =	simm.s32 @p2 $0x1  }
0x17: {  	s4 =	simm.s32 $0x1BF5;
	[smem:$0x3FA9] =	sst s0  }
0x18: {  	s0 =	sld [smem:$0x3F8C];
	_ =	swait.ge [sflag:s4], $0x0  }
0x19: {  	s7 =	sld [smem:$0x3F8D]  }
0x1a: {  	s8 =	sadd.s32 $0xFFFFE003, lr  }
0x1b: {  	s9 =	sadd.s32 $0xFFFFFEF7, lr;
	s5 =	simm.s32 $0xFFFFFFFF;
	p2 =	slt.u32 s8, $0xFFFFF086  }
0x1c: {  	p1 =	slt.u32 s9, $0xF7A;
	s5 =	simm.s32 @!p2 $0x0  }
0x1d: {  	s5 =	simm.s32 @p1 $0x1;
	p0 =	seq.s32 s7, s2  }
0x1e: {  	s7 =	smul.u32 @!p0 $0xF7A, s2;
	p2 =	seq.s32 @!p0 s5, $0x0  }
0x1f: {  	s9 =	smul.u32 $0xF7A, s1;
	s8 =	simm.s32 @!p0 $0x1BF5;
	p2 =	por !p2, p0  }
0x20: {  	[sflag:s8] =	ssyncset.s32 @!p0 $0xFFFFF086;
	s6 =	sadd.s32 @!p0 s3, s7;
	s7 =	simm.s32 @!p0 $0x108  }
0x21: {  	s3 =	sadd.s32 s3, s9;
	s6 =	sadd.s32 @!p0 $0x88, s6;
	s7 =	simm.s32 @p2 $0x1082  }
0x22: {  	[simem:s7], [sflag:s8] =	dma.local @!p0 [hbm:s6], $0xF7A  }
0x23: {  	s9 =	sor.u32 $0xD0000000, s2;
	s6 =	simm.s32 $0x108;
	_ =	swait.ge @!p0 [sflag:s8], $0x0  }
0x24: {  	s3 =	sadd.s32 $0x88, s3;
	s6 =	simm.s32 @!p1 $0x1082;
	[sflag:s4] =	ssyncset.s32 $0xFFFFF086  }
0x25: {  	[simem:s6], [sflag:s4] =	dma.local [hbm:s3], $0xF7A  }
0x26: {  	[smem:$0x3F8D] =	sst s1;
	(tag) =	ssettag s2;
	_ =	strace s9  }
0x27: {  	s1 =	sld [smem:$0x3F9D]  }
0x28: {  	s2 =	sld [smem:$0x3F9E]  }
0x29: {  	s4 =	sld [smem:$0x3FA0]  }
0x2a: {  	p0 =	seq.s32 s5, $0x0;
	s5 =	sld [smem:$0x3FA1]  }
0x2b: {  	s6 =	sld [smem:$0x3FA2]  }
0x2c: {  	s7 =	sld [smem:$0x3FA3]  }
0x2d: {  	s3 =	simm.s32 $0x108;
	s8 =	sld [smem:$0x3FA4]  }
0x2e: {  	s3 =	simm.s32 @!p0 $0x1082;
	s9 =	sld [smem:$0x3FA5]  }
0x2f: {  	lr =	sadd.s32 s0, s3;
	s0 =	sld [smem:$0x3F9C]  }
0x30: {  	s3 =	sld [smem:$0x3F9F]  }
0x31: {  	[smem:$0x3FA8] =	sst s10  }
0x32: {  	s10 =	sld [smem:$0x3FA6];
	_ =	sdelay $0x3  }
0x33: {  	p0 =	seq.s32 s10, $0x1;
	s10 =	sld [smem:$0x3FA8];
	_ =	sdelay $0x3  }
0x34: {  	[smem:$0x3FA8] =	sst s10  }
0x35: {  	s10 =	sld [smem:$0x3FA7];
	_ =	sdelay $0x3  }
0x36: {  	p1 =	seq.s32 s10, $0x1;
	s10 =	sld [smem:$0x3FA8];
	_ =	sdelay $0x3  }
0x37: {  	[smem:$0x3FA8] =	sst s10  }
0x38: {  	s10 =	sld [smem:$0x3FA9]  }
0x39: {  	_ = 	snop;
	(pc) =	sbr.ind lr, $3  }
0x3a: {  	_ = 	snop  }
0x3b: {  	_ = 	snop  }
0x3c: {  	p2 =	seq.s32 s10, $0x1;
	s10 =	sld [smem:$0x3FA8]  }
0x3d: {  	_ =	shalt  }
0x3e: {  	_ =	shalt  }
0x3f: {  	_ =	shalt  }
0x40: {  	_ =	shalt  }
0x41: {  	_ =	shalt  }
0x42: {  	_ =	shalt  }
0x43: {  	_ =	shalt  }
0x44: {  	_ =	shalt  }
0x45: {  	_ =	shalt  }
0x46: {  	_ =	shalt  }
0x47: {  	_ =	shalt  }
0x48: {  	_ =	shalt  }
0x49: {  	_ =	shalt  }
0x4a: {  	_ =	shalt  }
0x4b: {  	_ =	shalt  }
0x4c: {  	_ =	shalt  }
0x4d: {  	_ =	shalt  }
0x4e: {  	_ =	shalt  }
0x4f: {  	_ =	shalt  }
0x50: {  	_ =	shalt  }
0x51: {  	_ =	shalt  }
0x52: {  	_ =	shalt  }
0x53: {  	_ =	shalt  }
0x54: {  	_ =	shalt  }
0x55: {  	_ =	shalt  }
0x56: {  	_ =	shalt  }
0x57: {  	_ =	shalt  }
0x58: {  	_ =	shalt  }
0x59: {  	_ =	shalt  }
0x5a: {  	_ =	shalt  }
0x5b: {  	_ =	shalt  }
0x5c: {  	_ =	shalt  }
0x5d: {  	_ =	shalt  }
0x5e: {  	_ =	shalt  }
0x5f: {  	_ =	shalt  }
0x60: {  	_ =	shalt  }
0x61: {  	_ =	shalt  }
0x62: {  	_ =	shalt  }
0x63: {  	_ =	shalt  }
0x64: {  	_ =	shalt  }
0x65: {  	_ =	shalt  }
0x66: {  	_ =	shalt  }
0x67: {  	_ =	shalt  }
0x68: {  	_ =	shalt  }
0x69: {  	_ =	shalt  }
0x6a: {  	_ =	shalt  }
0x6b: {  	_ =	shalt  }
0x6c: {  	_ =	shalt  }
0x6d: {  	_ =	shalt  }
0x6e: {  	_ =	shalt  }
0x6f: {  	_ =	shalt  }
0x70: {  	_ =	shalt  }
0x71: {  	_ =	shalt  }
0x72: {  	_ =	shalt  }
0x73: {  	_ =	shalt  }
0x74: {  	_ =	shalt  }
0x75: {  	_ =	shalt  }
0x76: {  	_ =	shalt  }
0x77: {  	_ =	shalt  }
0x78: {  	_ =	shalt  }
0x79: {  	_ =	shalt  }
0x7a: {  	_ =	shalt  }
0x7b: {  	_ =	shalt  }
0x7c: {  	_ =	shalt  }
0x7d: {  	_ =	shalt  }
0x7e: {  	_ =	shalt  }
0x7f: {  	_ =	shalt  }
0x80: {  	_ =	shalt  }
0x81: {  	_ =	shalt  }
0x82: {  	_ =	shalt  }
0x83: {  	_ =	shalt  }
0x84: {  	_ =	shalt  }
0x85: {  	_ =	shalt  }
0x86: {  	_ =	shalt  }
0x87: {  	_ =	shalt  }
.Lfunc_end0:
.L_simem_size_0:
called_computation_lowered:
.L_overlay_start_0:
0x88: {  	s2 =	sld [smem:$0x3FD9]  }
0x89: {  	s3 =	sld [smem:$0x3FFE];
	_ =	sdelay $0x1  }
0x8a: {  	s1 =	srdreg.scid  }
0x8b: {  	s0 =	sand.u32 $0x1, s1  }
0x8c: {  	s17 =	sshll.u32 s0, $0xA;
	s2 =	sadd.s32 s3, s2  }
0x8d: {  	s2 =	sadd.s32 s2, s17  }
0x8e: {  	[smem:$0x3FB4] =	sst s2  }
0x8f: {  	_ = 	snop  }
0x90: {  	s2 =	sld [smem:$0x3FC9]  }
0x91: {  	s18 =	sld [smem:$0x3FD0];
	(tm) =	ssettm $0x1  }
0x92: {  	s4 =	sld [smem:$0x3FFB];
	_ =	sdelay $0x3  }
0x93: {  	_ =	strace s4  }
0x94: {  	s4 =	sld [smem:$0x3FFC];
	_ =	sdelay $0x3  }
0x95: {  	_ =	strace s4  }
0x96: {  	s4 =	sld [smem:$0x3FFD];
	_ =	sdelay $0x3  }
0x97: {  	_ =	strace s4  }
0x98: {  	_ =	strace $0x8FFFFFFF  }
0x99: {  	s19 =	sld [smem:$0x3FDB];
	_ =	sdelay $0x1  }
0x9a: {  	s5 =	simm.s32 $_scs_section_size  }
0x9b: {  	s6 =	simm.s32 $_size__tile_overlayer_lowered;
	s7 =	simm.s32 $_tile_overlayer_lowered  }
0x9c: {  	s22 =	simm.s32 $0x1BFF;
	s21 =	sshll.u32 s7, $0x1;
	s4 =	sadd.s32 s5, s19  }
0x9d: {  	s8 =	simm.s32 $0x0;
	s20 =	sshll.u32 s6, $0x1;
	s6 =	sadd.s32 s21, s4  }
0x9e: {  	[timem:s8], [sflag:s22] =	dma.local [hbm:s6], s20  }
0x9f: {  	_ =	swait.ge [sflag:s22], s20  }
0xa0: {  	s5 =	ssub.s32 $0x0, s20;
	[sflag:s22] =	ssyncset.done $0x0  }
0xa1: {  	[sflag:s22] =	ssyncadd.s32 s5;
	_ =	sdelay $0x1  }
0xa2: {  	s23 =	simm.s32 $0x1B8B  }
0xa3: {  	_ =	swait.ge [sflag:s23], $0x1  }
0xa4: {  	[sflag:s23] =	ssyncset.done $0x0  }
0xa5: {  	s25 =	simm.s32 $0x1B8E;
	s24 =	sld [smem:$0x3FFE];
	[sflag:s23] =	ssyncadd.s32 $0xFFFFFFFF  }
0xa6: {  	s26 =	simm.s32 $execute0_lowered;
	[smem:$0x3FD2] =	sst s25  }
0xa7: {  	s6 =	sshll.u32 s26, $0x1;
	_ =	strace $0x80000046;
	[dreg:$0x1] =	wrdreg $0xFFFFFFFF  }
0xa8: {  	s28 =	simm.s32 $_size_execute0_lowered;
	s4 =	sadd.s32 s4, s6;
	[dreg:$0x0] =	wrdreg $0x0  }
0xa9: {  	s6 =	sshll.u32 s28, $0x1;
	[dreg:$0x2] =	wrdreg s4  }
0xaa: {  	[dreg:$0x3] =	wrdreg s6  }
0xab: {  	[dreg:$0x4] =	wrdreg $0xC0  }
0xac: {  	_ =	task [dreg:s8], $0x5FFFF  }
0xad: {  	[dreg:$0x1] =	wrdreg $0xFFFFFFFF  }
0xae: {  	[dreg:$0x0] =	wrdreg $0x60  }
0xaf: {  	[dreg:$0x2] =	wrdreg s2  }
0xb0: {  	[dreg:$0x3] =	wrdreg s24  }
0xb1: {  	[dreg:$0x4] =	wrdreg s18  }
0xb2: {  	[dreg:$0x5] =	wrdreg $0x82000  }
0xb3: {  	[dreg:$0x6] =	wrdreg $0x9  }
0xb4: {  	_ =	task.clear_ibuf [dreg:s8], $0x7FFFF;
	_ =	strace $0x90000046  }
0xb5: {  	s29 =	simm.s32 $0x9;
	_ =	strace $0x80000048  }
0xb6: {  	_ =	swait.ge [sflag:s29], $0x1  }
0xb7: {  	[sflag:s29] =	ssyncadd.s32 $0xFFFFFFFF  }
0xb8: {  	_ =	strace $0x90000048  }
0xb9: {  	_ =	sfence  }
0xba: {  	s30 =	sld [smem:$0x0];
	_ =	sdelay $0x2  }
0xbb: {  	s31 =	sshll.u32 s1, $0xD;
	s1 =	sshrl.u32 s1, $0x2  }
0xbc: {  	s3 =	sand.u32 $0x4000, s31;
	s1 =	sadd.s32 s1, s30  }
0xbd: {  	s0 =	sor.u32 s3, s0;
	s1 =	sshll.u32 s1, $0x11  }
0xbe: {  	s0 =	sor.u32 s1, s0  }
0xbf: {  	s0 =	sadd.s32 $0x8F2B, s0  }
0xc0: {  	[sflag:s0] =	ssyncadd.remote.s32 $0x1  }
0xc1: {  	_ =	sfence.sel $0xFFFF  }
0xc2: {  	[dreg:$0x0] =	wrdreg $0xFFFFFFFF;
	(pc) =	sbr.abs _section_cstart, $3  }
0xc3: {  	[dreg:$0x1] =	wrdreg $0xFFFFFFFF  }
0xc4: {  	_ =	task.clear_ibuf [dreg:s8], $0x2FFFF;
	_ =	strace $0x9FFFFFFF  }
0xc5: {  	(tm) =	ssettm $0x7FFFFFFF  }
tec
execute0_lowered:
.L_overlay_start_1:
0x0: {  	(tag) =	ssettag $0x1  }
0x1: {  	s1 =	rddreg [dreg:$0x0]  }
0x2: {  	s6 =	rddreg [dreg:$0x1]  }
0x3: {  	s12 =	rddreg [dreg:$0x2]  }
0x4: {  	s2 =	rddreg [dreg:$0x3]  }
0x5: {  	s3 =	simm.s32 $0x0;
	s7 =	srdreg.scid;
	s4 =	stileid.u32  }
0x6: {  	s28 =	simm.s32 $0x0;
	[smem:$0x7FF] =	sst s3;
	s10 =	smul.u32 $0x50000, s4  }
0x7: {  	s5 =	sadd.s32 $0x3200, s6;
	s16 =	sadd.s32 $0xD000, s6;
	s15 =	smul.u32 $0x14000, s4  }
0x8: {  	s9 =	sand.u32 $0x1, s7;
	s19 =	sshll.u32 s4, $0x1;
	s24 =	smul.u32 $0x4F00, s4  }
0x9: {  	s6 =	sadd.s32 $0x16E00, s6;
	s22 =	sshll.u32 s4, $0x6;
	s21 =	smul.u32 $0x140000, s9  }
0xa: {  	s8 =	ssub.s32 $0x2, s9;
	s7 =	sor.u32 s9, s19;
	s19 =	smul.u32 $0x2780, s9  }
0xb: {  	_ =	strace $0x80000047;
	s11 =	sshrl.u32 s8, $0x1;
	s13 =	smul.u32 $0x2780, s7  }
0xc: {  	s20 =	sshrl.u32 s10, $0x2;
	s7 =	sor.u32 $0x1C03, s22;
	s22 =	simm.s32 $0x4200  }
0xd: {  	s14 =	ssub.s32 s8, s11;
	s18 =	sadd.s32 s20, s2;
	s15 =	sadd.s32 s15, s21  }
0xe: {  	s25 =	sadd.s32 s19, s24;
	s20 =	simm.s32 $0x80;
	s21 =	simm.s32 $0x200  }
0xf: {  	s24 =	simm.s32 $0x1;
	s23 =	sshrl.u32 s13, $0x3;
	s15 =	sshrl.u32 s15, $0x3  }
0x10: {  	s26 =	sadd.s32 $0x80, s25;
	s19 =	sadd.s32 $0x180, s25;
	s13 =	smax.u32 s14, $0x1  }
0x11: {  	s31 =	sshrl.u32 s25, $0x3;
	s18 =	sshrl.u32 s18, $0x3;
	s8 =	sadd.s32 s5, s23  }
0x12: {  	s17 =	sadd.s32 s16, s23;
	s12 =	sadd.s32 s12, s15;
	s29 =	sshrl.u32 s26, $0x3  }
0x13: {  	s30 =	sshrl.u32 s19, $0x3;
	s19 =	simm.s32 $0x3;
	s23 =	simm.s32 $0x100  }
0x14: {  	s26 =	simm.s32 $0x2;
	s9 =	sadd.s32 $0x10, s8;
	s10 =	sadd.s32 $0x4D0, s17  }
0x15: {  	s11 =	sadd.s32 $0x4E0, s17;
	s14 =	sadd.s32 s29, s16;
	s15 =	sadd.s32 s30, s5  }
0x16: {  	s16 =	sadd.s32 s31, s16;
	s17 =	sadd.s32 $0x100, s25;
	s25 =	simm.s32 $0x180  }
.LBB2_1:
0x17: {  	[spmem:s18], [sflag:s7] =	dma.local [hbm:s6], $0x2800  }
0x18: {  	_ =	swait.ge [sflag:s19], $0x2800  }
0x19: {  	[sflag:s19] =	ssyncset.done $0x0  }
0x1a: {  	[sflag:s19] =	ssyncadd.s32 $0xFFFFD800  }
0x1b: {  	[bflag:$0x0] =	sbarrier.arrive $0xFFFF  }
0x1c: {  	[tilespmem:s3], [sflag:$0x3] =	stream.linear.gather [hbm4b:s8+s3], $0x80, $0x38;
	[tilespmem:$0x1C200] =	vst v63  }
0x1d: {  	_ =	swait.ge [sflag:s19], $0x80  }
0x1e: {  	[sflag:s19] =	ssyncset.done $0x0  }
0x1f: {  	[sflag:s19] =	ssyncadd.s32 $0xFFFFFF80  }
0x20: {  	[tilespmem:s21], [sflag:$0x1] =	stream.indirect.gather [hbm4b:s1+s20], $0x80, s3, s20, $0xb8;
	[tilespmem:$0x1C200] =	vst v63  }
0x21: {  	_ = 	snop  }
0x22: {  	[tilespmem:s20], [sflag:$0x3] =	stream.linear.gather [hbm4b:s9+s3], $0x80, $0x38;
	[tilespmem:$0x1C200] =	vst v63  }
0x23: {  	_ =	swait.ge [sflag:s19], $0x80  }
0x24: {  	[sflag:s19] =	ssyncset.done $0x0  }
0x25: {  	[sflag:s19] =	ssyncadd.s32 $0xFFFFFF80  }
0x26: {  	[tilespmem:s22], [sflag:$0x2] =	stream.indirect.gather [hbm4b:s1+s20], $0x80, s20, s20, $0xb8;
	[tilespmem:$0x1C200] =	vst v63  }
0x27: {  	s29 =	sadd.s32 $0x0, s16  }
0x28: {  	[tilespmem:s23], [sflag:$0x3] =	stream.linear.gather [hbm4b:s29+s3], $0x80, $0x38;
	[tilespmem:$0x1C200] =	vst v63  }
0x29: {  	_ =	swait.ge [sflag:s19], $0x80  }
0x2a: {  	[sflag:s19] =	ssyncset.done $0x0  }
0x2b: {  	[sflag:s19] =	ssyncadd.s32 $0xFFFFFF80  }
0x2c: {  	_ =	swait.ge [sflag:s24], $0x4000  }
0x2d: {  	[sflag:s24] =	ssyncset.done $0x0  }
0x2e: {  	[sflag:s24] =	ssyncadd.s32 $0xFFFFC000  }
0x2f: {  	[spmem:s2] =	stream.indirect.scatter.add.f32 [tilespmem:s21], [sflag:$0x3], $0x80, s23, s20, $0xb8;
	[tilespmem:$0x1C200] =	vst v63  }
0x30: {  	_ =	swait.ge [sflag:s19], $0x4000  }
0x31: {  	s29 =	sshrl.u32 s17, $0x3;
	[sflag:s19] =	ssyncset.done $0x0  }
0x32: {  	s29 =	sadd.s32 s5, s29;
	[sflag:s19] =	ssyncadd.s32 $0xFFFFC000  }
0x33: {  	[tilespmem:s3], [sflag:$0x3] =	stream.linear.gather [hbm4b:s29+s3], $0x80, $0x38;
	[tilespmem:$0x1C200] =	vst v63  }
0x34: {  	_ =	swait.ge [sflag:s19], $0x80  }
0x35: {  	[sflag:s19] =	ssyncset.done $0x0  }
0x36: {  	[sflag:s19] =	ssyncadd.s32 $0xFFFFFF80  }
0x37: {  	[tilespmem:s21], [sflag:$0x1] =	stream.indirect.gather [hbm4b:s1+s20], $0x80, s3, s20, $0xb8;
	[tilespmem:$0x1C200] =	vst v63  }
0x38: {  	s29 =	sadd.s32 $0x0, s14  }
0x39: {  	[tilespmem:s25], [sflag:$0x3] =	stream.linear.gather [hbm4b:s29+s3], $0x80, $0x38;
	[tilespmem:$0x1C200] =	vst v63  }
0x3a: {  	_ =	swait.ge [sflag:s19], $0x80  }
0x3b: {  	[sflag:s19] =	ssyncset.done $0x0  }
0x3c: {  	[sflag:s19] =	ssyncadd.s32 $0xFFFFFF80  }
0x3d: {  	_ =	swait.ge [sflag:s26], $0x4000  }
0x3e: {  	[sflag:s26] =	ssyncset.done $0x0  }
0x3f: {  	[sflag:s26] =	ssyncadd.s32 $0xFFFFC000  }
0x40: {  	[spmem:s2] =	stream.indirect.scatter.add.f32 [tilespmem:s22], [sflag:$0x3], $0x80, s25, s20, $0xb8;
	[tilespmem:$0x1C200] =	vst v63  }
0x41: {  	_ =	swait.ge [sflag:s19], $0x4000  }
0x42: {  	[sflag:s19] =	ssyncset.done $0x0  }
0x43: {  	s29 =	sadd.s32 $0x0, s15;
	[sflag:s19] =	ssyncadd.s32 $0xFFFFC000  }
0x44: {  	[tilespmem:s20], [sflag:$0x3] =	stream.linear.gather [hbm4b:s29+s3], $0x80, $0x38;
	[tilespmem:$0x1C200] =	vst v63  }
0x45: {  	_ =	swait.ge [sflag:s19], $0x80  }
0x46: {  	[sflag:s19] =	ssyncset.done $0x0  }
0x47: {  	s30 =	sadd.s32 $0x100, s17;
	s29 =	simm.s32 $0x20;
	[sflag:s19] =	ssyncadd.s32 $0xFFFFFF80  }
.LBB2_2:
0x48: {  	[tilespmem:s22], [sflag:$0x2] =	stream.indirect.gather [hbm4b:s1+s20], $0x80, s20, s20, $0xb8;
	[tilespmem:$0x1C200] =	vst v63  }
0x49: {  	s31 =	smov.u32 s29  }
0x4a: {  	p0 =	sne.s32 s29, $0x4A0;
	s29 =	sadd.s32 $0x20, s29;
	s0 =	sadd.s32 s31, s16  }
0x4b: {  	[tilespmem:s23], [sflag:$0x3] =	stream.linear.gather [hbm4b:s0+s3], $0x80, $0x38;
	[tilespmem:$0x1C200] =	vst v63  }
0x4c: {  	_ =	swait.ge [sflag:s19], $0x80  }
0x4d: {  	[sflag:s19] =	ssyncset.done $0x0  }
0x4e: {  	[sflag:s19] =	ssyncadd.s32 $0xFFFFFF80  }
0x4f: {  	_ =	swait.ge [sflag:s24], $0x4000  }
0x50: {  	[sflag:s24] =	ssyncset.done $0x0  }
0x51: {  	[sflag:s24] =	ssyncadd.s32 $0xFFFFC000  }
0x52: {  	[spmem:s2] =	stream.indirect.scatter.add.f32 [tilespmem:s21], [sflag:$0x3], $0x80, s23, s20, $0xb8;
	[tilespmem:$0x1C200] =	vst v63  }
0x53: {  	_ =	swait.ge [sflag:s19], $0x4000  }
0x54: {  	s0 =	sshrl.u32 s30, $0x3;
	[sflag:s19] =	ssyncset.done $0x0  }
0x55: {  	s0 =	sadd.s32 s5, s0;
	[sflag:s19] =	ssyncadd.s32 $0xFFFFC000  }
0x56: {  	[tilespmem:s3], [sflag:$0x3] =	stream.linear.gather [hbm4b:s0+s3], $0x80, $0x38;
	[tilespmem:$0x1C200] =	vst v63  }
0x57: {  	_ =	swait.ge [sflag:s19], $0x80  }
0x58: {  	[sflag:s19] =	ssyncset.done $0x0  }
0x59: {  	[sflag:s19] =	ssyncadd.s32 $0xFFFFFF80  }
0x5a: {  	[tilespmem:s21], [sflag:$0x1] =	stream.indirect.gather [hbm4b:s1+s20], $0x80, s3, s20, $0xb8;
	[tilespmem:$0x1C200] =	vst v63  }
0x5b: {  	s0 =	sadd.s32 s31, s14  }
0x5c: {  	[tilespmem:s25], [sflag:$0x3] =	stream.linear.gather [hbm4b:s0+s3], $0x80, $0x38;
	[tilespmem:$0x1C200] =	vst v63  }
0x5d: {  	_ =	swait.ge [sflag:s19], $0x80  }
0x5e: {  	[sflag:s19] =	ssyncset.done $0x0  }
0x5f: {  	[sflag:s19] =	ssyncadd.s32 $0xFFFFFF80  }
0x60: {  	_ =	swait.ge [sflag:s26], $0x4000  }
0x61: {  	[sflag:s26] =	ssyncset.done $0x0  }
0x62: {  	[sflag:s26] =	ssyncadd.s32 $0xFFFFC000  }
0x63: {  	[spmem:s2] =	stream.indirect.scatter.add.f32 [tilespmem:s22], [sflag:$0x3], $0x80, s25, s20, $0xb8;
	[tilespmem:$0x1C200] =	vst v63  }
0x64: {  	_ =	swait.ge [sflag:s19], $0x4000  }
0x65: {  	[sflag:s19] =	ssyncset.done $0x0  }
.Ltmp0:
0x66: {  	s0 =	sadd.s32 s31, s15;
	[sflag:s19] =	ssyncadd.s32 $0xFFFFC000;
	(pc) =	sbr.rel @p0 .LBB2_2-.Ltmp0, $4  }
0x67: {  	[tilespmem:s20], [sflag:$0x3] =	stream.linear.gather [hbm4b:s0+s3], $0x80, $0x38;
	[tilespmem:$0x1C200] =	vst v63  }
0x68: {  	_ =	swait.ge [sflag:s19], $0x80  }
0x69: {  	[sflag:s19] =	ssyncset.done $0x0  }
0x6a: {  	s30 =	sadd.s32 $0x100, s30;
	[sflag:s19] =	ssyncadd.s32 $0xFFFFFF80  }
0x6b: {  	[tilespmem:s22], [sflag:$0x2] =	stream.indirect.gather [hbm4b:s1+s20], $0x80, s20, s20, $0xb8;
	[tilespmem:$0x1C200] =	vst v63  }
0x6c: {  	_ = 	snop  }
0x6d: {  	[tilespmem:s23], [sflag:$0x3] =	stream.linear.gather [hbm4b:s10+s3], $0x80, $0x38;
	[tilespmem:$0x1C200] =	vst v63  }
0x6e: {  	_ =	swait.ge [sflag:s19], $0x80  }
0x6f: {  	[sflag:s19] =	ssyncset.done $0x0  }
0x70: {  	[sflag:s19] =	ssyncadd.s32 $0xFFFFFF80  }
0x71: {  	_ =	swait.ge [sflag:s24], $0x4000  }
0x72: {  	[sflag:s24] =	ssyncset.done $0x0  }
0x73: {  	[sflag:s24] =	ssyncadd.s32 $0xFFFFC000  }
0x74: {  	[spmem:s2] =	stream.indirect.scatter.add.f32 [tilespmem:s21], [sflag:$0x3], $0x80, s23, s20, $0xb8;
	[tilespmem:$0x1C200] =	vst v63  }
0x75: {  	_ =	swait.ge [sflag:s19], $0x4000  }
0x76: {  	[sflag:s19] =	ssyncset.done $0x0  }
0x77: {  	[sflag:s19] =	ssyncadd.s32 $0xFFFFC000  }
0x78: {  	[tilespmem:s25], [sflag:$0x3] =	stream.linear.gather [hbm4b:s11+s3], $0x80, $0x38;
	[tilespmem:$0x1C200] =	vst v63  }
0x79: {  	_ =	swait.ge [sflag:s19], $0x80  }
0x7a: {  	[sflag:s19] =	ssyncset.done $0x0  }
0x7b: {  	[sflag:s19] =	ssyncadd.s32 $0xFFFFFF80  }
0x7c: {  	_ =	swait.ge [sflag:s26], $0x4000  }
0x7d: {  	[sflag:s26] =	ssyncset.done $0x0  }
0x7e: {  	[sflag:s26] =	ssyncadd.s32 $0xFFFFC000  }
0x7f: {  	[spmem:s2] =	stream.indirect.scatter.add.f32 [tilespmem:s22], [sflag:$0x3], $0x80, s25, s20, $0xb8;
	[tilespmem:$0x1C200] =	vst v63  }
0x80: {  	_ =	swait.ge [sflag:s19], $0x4000  }
0x81: {  	s28 =	sadd.s32 $0x1, s28;
	[sflag:s19] =	ssyncset.done $0x0  }
0x82: {  	p0 =	sne.s32 s28, s13;
	[sflag:s19] =	ssyncadd.s32 $0xFFFFC000  }
.Ltmp1:
0x83: {  	[bflag:$0x0] =	sbarrier.arrive $0xFFFF;
	(pc) =	sbr.rel @p0 .LBB2_1-.Ltmp1, $4  }
0x84: {  	[hbm:s12], [sflag:s7] =	dma.local [spmem:s18], $0x2800  }
0x85: {  	_ =	swait.ge [sflag:s19], $0x2800  }
0x86: {  	[sflag:s19] =	ssyncset.done $0x0  }
0x87: {  	[sflag:s19] =	ssyncadd.s32 $0xFFFFD800  }
0x88: {  	_ =	sfence.sel $0x180000  }
0x89: {  	[bflag:$0x0] =	sbarrier.arrive $0xFFFF  }
0x8a: {  	_ =	strace $0x90000047  }
0x8b: {  	[bflag:$0x2] =	sbarrier.arrive $0xFFFF  }
0x8c: {  	p0 =	sne.s32 s4, $0x0;
	s0 =	rddreg [dreg:$0x4]  }
0x8d: {  	s0 =	sadd.s32 @!p0 $0x100000, s0  }
0x8e: {  	[sflag:s0] =	ssyncadd.tile.s32 @!p0 $0x1;
	_ =	shalt  }
.Lfunc_end2:
_tile_overlayer_lowered:
.L_overlay_start_2:
0x8f: {  	(tag) =	ssettag $0x2  }
0x90: {  	s0 =	rddreg [dreg:$0x0];
	s2 =	stileid.u32  }
0x91: {  	s1 =	rddreg [dreg:$0x1];
	p0 =	sne.s32 s2, $0x0  }
0x92: {  	s3 =	rddreg [dreg:$0x2];
	[bflag:$0x3] =	sbarrier.arrive $0xFFFF;
	s2 =	simm.s32 @!p0 $0x1C03  }
0x93: {  	[timem:s3], [sflag:s2] =	dma.local @!p0 [hbm:s0], s1  }
0x94: {  	s0 =	simm.s32 @!p0 $0x3  }
0x95: {  	_ =	swait.ge @!p0 [sflag:s0], s1  }
0x96: {  	s1 =	ssub.s32 @!p0 $0x0, s1;
	[sflag:s0] =	ssyncset.done @!p0 $0x0  }
0x97: {  	[sflag:s0] =	ssyncadd.s32 @!p0 s1  }
0x98: {  	[bflag:$0x3] =	sbarrier.arrive $0xFFFF  }
0x99: {  	_ =	shalt  }

// kernel: kernel.9.cloned.1.call-start
scs
__scs_entry_jumppad:
0x0: {  	(pc) =	sbr.rel $0x88, $3  }
0x1: {  	(tag) =	ssettag $0x0;
	lr =	simm.s32 $0x1  }
0x2: {  	[smem:$0x3F8D] =	sst lr;
	_ =	strace $0xD0000000  }
0x3: {  	_ = 	snop  }
0x4: {  	_ = 	snop  }
0x5: {  	_ = 	snop  }
0x6: {  	_ = 	snop  }
0x7: {  	_ = 	snop  }
__scs_overlays_trampoline_lowered:
0x8: {  	[smem:$0x3F9C] =	sst s0  }
0x9: {  	[smem:$0x3F9D] =	sst s1  }
0xa: {  	[smem:$0x3F9E] =	sst s2  }
0xb: {  	[smem:$0x3F9F] =	sst s3  }
0xc: {  	[smem:$0x3FA0] =	sst s4  }
0xd: {  	[smem:$0x3FA1] =	sst s5  }
0xe: {  	[smem:$0x3FA2] =	sst s6  }
0xf: {  	[smem:$0x3FA3] =	sst s7  }
0x10: {  	[smem:$0x3FA4] =	sst s8  }
0x11: {  	[smem:$0x3FA5] =	sst s9;
	s0 =	simm.s32 @!p0 $0x0  }
0x12: {  	s1 =	sld [smem:$0x3F8B];
	s0 =	simm.s32 @p0 $0x1  }
0x13: {  	[smem:$0x3FA6] =	sst s0;
	s0 =	simm.s32 @!p1 $0x0  }
0x14: {  	s2 =	sld [smem:$0x3F8A];
	s0 =	simm.s32 @p1 $0x1  }
0x15: {  	[smem:$0x3FA7] =	sst s0;
	s0 =	simm.s32 @!p2 $0x0  }
0x16: {  	s3 =	sld [smem:$0x3FDB];
	s0 =	simm.s32 @p2 $0x1  }
0x17: {  	s4 =	simm.s32 $0x1BF5;
	[smem:$0x3FA9] =	sst s0  }
0x18: {  	s0 =	sld [smem:$0x3F8C];
	_ =	swait.ge [sflag:s4], $0x0  }
0x19: {  	s7 =	sld [smem:$0x3F8D]  }
0x1a: {  	s8 =	sadd.s32 $0xFFFFE003, lr  }
0x1b: {  	s9 =	sadd.s32 $0xFFFFFEF7, lr;
	s5 =	simm.s32 $0xFFFFFFFF;
	p2 =	slt.u32 s8, $0xFFFFF086  }
0x1c: {  	p1 =	slt.u32 s9, $0xF7A;
	s5 =	simm.s32 @!p2 $0x0  }
0x1d: {  	s5 =	simm.s32 @p1 $0x1;
	p0 =	seq.s32 s7, s2  }
0x1e: {  	s7 =	smul.u32 @!p0 $0xF7A, s2;
	p2 =	seq.s32 @!p0 s5, $0x0  }
0x1f: {  	s9 =	smul.u32 $0xF7A, s1;
	s8 =	simm.s32 @!p0 $0x1BF5;
	p2 =	por !p2, p0  }
0x20: {  	[sflag:s8] =	ssyncset.s32 @!p0 $0xFFFFF086;
	s6 =	sadd.s32 @!p0 s3, s7;
	s7 =	simm.s32 @!p0 $0x108  }
0x21: {  	s3 =	sadd.s32 s3, s9;
	s6 =	sadd.s32 @!p0 $0x88, s6;
	s7 =	simm.s32 @p2 $0x1082  }
0x22: {  	[simem:s7], [sflag:s8] =	dma.local @!p0 [hbm:s6], $0xF7A  }
0x23: {  	s9 =	sor.u32 $0xD0000000, s2;
	s6 =	simm.s32 $0x108;
	_ =	swait.ge @!p0 [sflag:s8], $0x0  }
0x24: {  	s3 =	sadd.s32 $0x88, s3;
	s6 =	simm.s32 @!p1 $0x1082;
	[sflag:s4] =	ssyncset.s32 $0xFFFFF086  }
0x25: {  	[simem:s6], [sflag:s4] =	dma.local [hbm:s3], $0xF7A  }
0x26: {  	[smem:$0x3F8D] =	sst s1;
	(tag) =	ssettag s2;
	_ =	strace s9  }
0x27: {  	s1 =	sld [smem:$0x3F9D]  }
0x28: {  	s2 =	sld [smem:$0x3F9E]  }
0x29: {  	s4 =	sld [smem:$0x3FA0]  }
0x2a: {  	p0 =	seq.s32 s5, $0x0;
	s5 =	sld [smem:$0x3FA1]  }
0x2b: {  	s6 =	sld [smem:$0x3FA2]  }
0x2c: {  	s7 =	sld [smem:$0x3FA3]  }
0x2d: {  	s3 =	simm.s32 $0x108;
	s8 =	sld [smem:$0x3FA4]  }
0x2e: {  	s3 =	simm.s32 @!p0 $0x1082;
	s9 =	sld [smem:$0x3FA5]  }
0x2f: {  	lr =	sadd.s32 s0, s3;
	s0 =	sld [smem:$0x3F9C]  }
0x30: {  	s3 =	sld [smem:$0x3F9F]  }
0x31: {  	[smem:$0x3FA8] =	sst s10  }
0x32: {  	s10 =	sld [smem:$0x3FA6];
	_ =	sdelay $0x3  }
0x33: {  	p0 =	seq.s32 s10, $0x1;
	s10 =	sld [smem:$0x3FA8];
	_ =	sdelay $0x3  }
0x34: {  	[smem:$0x3FA8] =	sst s10  }
0x35: {  	s10 =	sld [smem:$0x3FA7];
	_ =	sdelay $0x3  }
0x36: {  	p1 =	seq.s32 s10, $0x1;
	s10 =	sld [smem:$0x3FA8];
	_ =	sdelay $0x3  }
0x37: {  	[smem:$0x3FA8] =	sst s10  }
0x38: {  	s10 =	sld [smem:$0x3FA9]  }
0x39: {  	_ = 	snop;
	(pc) =	sbr.ind lr, $3  }
0x3a: {  	_ = 	snop  }
0x3b: {  	_ = 	snop  }
0x3c: {  	p2 =	seq.s32 s10, $0x1;
	s10 =	sld [smem:$0x3FA8]  }
0x3d: {  	_ =	shalt  }
0x3e: {  	_ =	shalt  }
0x3f: {  	_ =	shalt  }
0x40: {  	_ =	shalt  }
0x41: {  	_ =	shalt  }
0x42: {  	_ =	shalt  }
0x43: {  	_ =	shalt  }
0x44: {  	_ =	shalt  }
0x45: {  	_ =	shalt  }
0x46: {  	_ =	shalt  }
0x47: {  	_ =	shalt  }
0x48: {  	_ =	shalt  }
0x49: {  	_ =	shalt  }
0x4a: {  	_ =	shalt  }
0x4b: {  	_ =	shalt  }
0x4c: {  	_ =	shalt  }
0x4d: {  	_ =	shalt  }
0x4e: {  	_ =	shalt  }
0x4f: {  	_ =	shalt  }
0x50: {  	_ =	shalt  }
0x51: {  	_ =	shalt  }
0x52: {  	_ =	shalt  }
0x53: {  	_ =	shalt  }
0x54: {  	_ =	shalt  }
0x55: {  	_ =	shalt  }
0x56: {  	_ =	shalt  }
0x57: {  	_ =	shalt  }
0x58: {  	_ =	shalt  }
0x59: {  	_ =	shalt  }
0x5a: {  	_ =	shalt  }
0x5b: {  	_ =	shalt  }
0x5c: {  	_ =	shalt  }
0x5d: {  	_ =	shalt  }
0x5e: {  	_ =	shalt  }
0x5f: {  	_ =	shalt  }
0x60: {  	_ =	shalt  }
0x61: {  	_ =	shalt  }
0x62: {  	_ =	shalt  }
0x63: {  	_ =	shalt  }
0x64: {  	_ =	shalt  }
0x65: {  	_ =	shalt  }
0x66: {  	_ =	shalt  }
0x67: {  	_ =	shalt  }
0x68: {  	_ =	shalt  }
0x69: {  	_ =	shalt  }
0x6a: {  	_ =	shalt  }
0x6b: {  	_ =	shalt  }
0x6c: {  	_ =	shalt  }
0x6d: {  	_ =	shalt  }
0x6e: {  	_ =	shalt  }
0x6f: {  	_ =	shalt  }
0x70: {  	_ =	shalt  }
0x71: {  	_ =	shalt  }
0x72: {  	_ =	shalt  }
0x73: {  	_ =	shalt  }
0x74: {  	_ =	shalt  }
0x75: {  	_ =	shalt  }
0x76: {  	_ =	shalt  }
0x77: {  	_ =	shalt  }
0x78: {  	_ =	shalt  }
0x79: {  	_ =	shalt  }
0x7a: {  	_ =	shalt  }
0x7b: {  	_ =	shalt  }
0x7c: {  	_ =	shalt  }
0x7d: {  	_ =	shalt  }
0x7e: {  	_ =	shalt  }
0x7f: {  	_ =	shalt  }
0x80: {  	_ =	shalt  }
0x81: {  	_ =	shalt  }
0x82: {  	_ =	shalt  }
0x83: {  	_ =	shalt  }
0x84: {  	_ =	shalt  }
0x85: {  	_ =	shalt  }
0x86: {  	_ =	shalt  }
0x87: {  	_ =	shalt  }
.Lfunc_end0:
.L_simem_size_0:
called_computation.1_lowered:
.L_overlay_start_0:
0x88: {  	s2 =	sld [smem:$0x3FD9]  }
0x89: {  	s3 =	sld [smem:$0x3FFE];
	_ =	sdelay $0x1  }
0x8a: {  	s1 =	srdreg.scid  }
0x8b: {  	s0 =	sand.u32 $0x1, s1  }
0x8c: {  	s17 =	sshll.u32 s0, $0xA;
	s2 =	sadd.s32 s3, s2  }
0x8d: {  	s2 =	sadd.s32 s2, s17  }
0x8e: {  	[smem:$0x3FB4] =	sst s2  }
0x8f: {  	_ = 	snop  }
0x90: {  	s2 =	sld [smem:$0x3FD0];
	(tm) =	ssettm $0x1  }
0x91: {  	s18 =	sld [smem:$0x3FFB];
	_ =	sdelay $0x3  }
0x92: {  	_ =	strace s18  }
0x93: {  	s3 =	sld [smem:$0x3FFC];
	_ =	sdelay $0x3  }
0x94: {  	_ =	strace s3  }
0x95: {  	s3 =	sld [smem:$0x3FFD];
	_ =	sdelay $0x3  }
0x96: {  	_ =	strace s3  }
0x97: {  	_ =	strace $0x8FFFFFFF  }
0x98: {  	s19 =	sld [smem:$0x3FDB];
	_ =	sdelay $0x1  }
0x99: {  	s4 =	simm.s32 $_scs_section_size  }
0x9a: {  	s5 =	simm.s32 $_size__tile_overlayer_lowered;
	s6 =	simm.s32 $_tile_overlayer_lowered  }
0x9b: {  	s22 =	simm.s32 $0x1BFF;
	s21 =	sshll.u32 s6, $0x1;
	s3 =	sadd.s32 s4, s19  }
0x9c: {  	s7 =	simm.s32 $0x0;
	s20 =	sshll.u32 s5, $0x1;
	s5 =	sadd.s32 s21, s3  }
0x9d: {  	[timem:s7], [sflag:s22] =	dma.local [hbm:s5], s20  }
0x9e: {  	_ =	swait.ge [sflag:s22], s20  }
0x9f: {  	s4 =	ssub.s32 $0x0, s20;
	[sflag:s22] =	ssyncset.done $0x0  }
0xa0: {  	[sflag:s22] =	ssyncadd.s32 s4;
	_ =	sdelay $0x1  }
0xa1: {  	s23 =	simm.s32 $0x1B8B  }
0xa2: {  	_ =	swait.ge [sflag:s23], $0x1  }
0xa3: {  	[sflag:s23] =	ssyncset.done $0x0  }
0xa4: {  	s25 =	simm.s32 $0x1B8E;
	s24 =	sld [smem:$0x3FFE];
	[sflag:s23] =	ssyncadd.s32 $0xFFFFFFFF  }
0xa5: {  	s26 =	simm.s32 $execute0_lowered;
	[smem:$0x3FD2] =	sst s25  }
0xa6: {  	s5 =	sshll.u32 s26, $0x1;
	_ =	strace $0x80000049;
	[dreg:$0x1] =	wrdreg $0xFFFFFFFF  }
0xa7: {  	s28 =	simm.s32 $_size_execute0_lowered;
	s3 =	sadd.s32 s3, s5;
	[dreg:$0x0] =	wrdreg $0x0  }
0xa8: {  	s5 =	sshll.u32 s28, $0x1;
	[dreg:$0x2] =	wrdreg s3  }
0xa9: {  	[dreg:$0x3] =	wrdreg s5  }
0xaa: {  	[dreg:$0x4] =	wrdreg $0xC0  }
0xab: {  	_ =	task [dreg:s7], $0x5FFFF  }
0xac: {  	[dreg:$0x1] =	wrdreg $0xFFFFFFFF  }
0xad: {  	[dreg:$0x0] =	wrdreg $0x60  }
0xae: {  	[dreg:$0x2] =	wrdreg s24  }
0xaf: {  	[dreg:$0x3] =	wrdreg s2  }
0xb0: {  	[dreg:$0x4] =	wrdreg $0x82000  }
0xb1: {  	[dreg:$0x5] =	wrdreg $0x9  }
0xb2: {  	_ =	task.clear_ibuf [dreg:s7], $0x6FFFF;
	_ =	strace $0x90000049  }
0xb3: {  	s29 =	simm.s32 $0x9;
	_ =	strace $0x8000004B  }
0xb4: {  	_ =	swait.ge [sflag:s29], $0x1  }
0xb5: {  	[sflag:s29] =	ssyncadd.s32 $0xFFFFFFFF  }
0xb6: {  	_ =	strace $0x9000004B  }
0xb7: {  	_ =	sfence  }
0xb8: {  	s30 =	sld [smem:$0x0];
	_ =	sdelay $0x2  }
0xb9: {  	s31 =	sshll.u32 s1, $0xD;
	s1 =	sshrl.u32 s1, $0x2  }
0xba: {  	s3 =	sand.u32 $0x4000, s31;
	s1 =	sadd.s32 s1, s30  }
0xbb: {  	s0 =	sor.u32 s3, s0;
	s1 =	sshll.u32 s1, $0x11  }
0xbc: {  	s0 =	sor.u32 s1, s0  }
0xbd: {  	s0 =	sadd.s32 $0x8F2B, s0  }
0xbe: {  	[sflag:s0] =	ssyncadd.remote.s32 $0x1  }
0xbf: {  	_ =	sfence.sel $0xFFFF  }
0xc0: {  	[dreg:$0x0] =	wrdreg $0xFFFFFFFF;
	(pc) =	sbr.abs _section_cstart, $3  }
0xc1: {  	[dreg:$0x1] =	wrdreg $0xFFFFFFFF  }
0xc2: {  	_ =	task.clear_ibuf [dreg:s7], $0x2FFFF;
	_ =	strace $0x9FFFFFFF  }
0xc3: {  	(tm) =	ssettm $0x7FFFFFFF  }
tec
execute0_lowered:
.L_overlay_start_1:
0x0: {  	(tag) =	ssettag $0x1  }
0x1: {  	s6 =	rddreg [dreg:$0x0]  }
0x2: {  	s12 =	rddreg [dreg:$0x1]  }
0x3: {  	s1 =	rddreg [dreg:$0x2];
	s2 =	simm.s32 $0x0  }
0x4: {  	s7 =	srdreg.scid;
	s3 =	stileid.u32;
	s28 =	simm.s32 $0x0  }
0x5: {  	[smem:$0x7FF] =	sst s2;
	s4 =	sadd.s32 $0x19600, s6;
	s10 =	smul.u32 $0x50000, s3  }
0x6: {  	s5 =	sadd.s32 $0x3200, s6;
	s16 =	sadd.s32 $0xD000, s6;
	s15 =	smul.u32 $0x14000, s3  }
0x7: {  	s9 =	sand.u32 $0x1, s7;
	s19 =	sshll.u32 s3, $0x1;
	s24 =	smul.u32 $0x4F00, s3  }
0x8: {  	s6 =	sadd.s32 $0x16E00, s6;
	s22 =	sshll.u32 s3, $0x6;
	s21 =	smul.u32 $0x140000, s9  }
0x9: {  	s8 =	ssub.s32 $0x2, s9;
	s7 =	sor.u32 s9, s19;
	s19 =	smul.u32 $0x2780, s9  }
0xa: {  	_ =	strace $0x8000004A;
	s11 =	sshrl.u32 s8, $0x1;
	s13 =	smul.u32 $0x2780, s7  }
0xb: {  	s20 =	sshrl.u32 s10, $0x2;
	s7 =	sor.u32 $0x1C03, s22;
	s22 =	simm.s32 $0x4200  }
0xc: {  	s14 =	ssub.s32 s8, s11;
	s18 =	sadd.s32 s20, s1;
	s15 =	sadd.s32 s15, s21  }
0xd: {  	s25 =	sadd.s32 s19, s24;
	s20 =	simm.s32 $0x80;
	s21 =	simm.s32 $0x200  }
0xe: {  	s24 =	simm.s32 $0x1;
	s23 =	sshrl.u32 s13, $0x3;
	s15 =	sshrl.u32 s15, $0x3  }
0xf: {  	s26 =	sadd.s32 $0x80, s25;
	s19 =	sadd.s32 $0x180, s25;
	s13 =	smax.u32 s14, $0x1  }
0x10: {  	s31 =	sshrl.u32 s25, $0x3;
	s18 =	sshrl.u32 s18, $0x3;
	s8 =	sadd.s32 s5, s23  }
0x11: {  	s17 =	sadd.s32 s16, s23;
	s12 =	sadd.s32 s12, s15;
	s29 =	sshrl.u32 s26, $0x3  }
0x12: {  	s30 =	sshrl.u32 s19, $0x3;
	s19 =	simm.s32 $0x3;
	s23 =	simm.s32 $0x100  }
0x13: {  	s26 =	simm.s32 $0x2;
	s9 =	sadd.s32 $0x10, s8;
	s10 =	sadd.s32 $0x4D0, s17  }
0x14: {  	s11 =	sadd.s32 $0x4E0, s17;
	s14 =	sadd.s32 s29, s16;
	s15 =	sadd.s32 s30, s5  }
0x15: {  	s16 =	sadd.s32 s31, s16;
	s17 =	sadd.s32 $0x100, s25;
	s25 =	simm.s32 $0x180  }
.LBB2_1:
0x16: {  	[spmem:s18], [sflag:s7] =	dma.local [hbm:s6], $0x2800  }
0x17: {  	_ =	swait.ge [sflag:s19], $0x2800  }
0x18: {  	[sflag:s19] =	ssyncset.done $0x0  }
0x19: {  	[sflag:s19] =	ssyncadd.s32 $0xFFFFD800  }
0x1a: {  	[bflag:$0x0] =	sbarrier.arrive $0xFFFF  }
0x1b: {  	[tilespmem:s2], [sflag:$0x3] =	stream.linear.gather [hbm4b:s8+s2], $0x80, $0x38;
	[tilespmem:$0x1C200] =	vst v63  }
0x1c: {  	_ =	swait.ge [sflag:s19], $0x80  }
0x1d: {  	[sflag:s19] =	ssyncset.done $0x0  }
0x1e: {  	[sflag:s19] =	ssyncadd.s32 $0xFFFFFF80  }
0x1f: {  	[tilespmem:s21], [sflag:$0x1] =	stream.indirect.gather [hbm4b:s4+s20], $0x80, s2, s20, $0xb8;
	[tilespmem:$0x1C200] =	vst v63  }
0x20: {  	_ = 	snop  }
0x21: {  	[tilespmem:s20], [sflag:$0x3] =	stream.linear.gather [hbm4b:s9+s2], $0x80, $0x38;
	[tilespmem:$0x1C200] =	vst v63  }
0x22: {  	_ =	swait.ge [sflag:s19], $0x80  }
0x23: {  	[sflag:s19] =	ssyncset.done $0x0  }
0x24: {  	[sflag:s19] =	ssyncadd.s32 $0xFFFFFF80  }
0x25: {  	[tilespmem:s22], [sflag:$0x2] =	stream.indirect.gather [hbm4b:s4+s20], $0x80, s20, s20, $0xb8;
	[tilespmem:$0x1C200] =	vst v63  }
0x26: {  	s29 =	sadd.s32 $0x0, s16  }
0x27: {  	[tilespmem:s23], [sflag:$0x3] =	stream.linear.gather [hbm4b:s29+s2], $0x80, $0x38;
	[tilespmem:$0x1C200] =	vst v63  }
0x28: {  	_ =	swait.ge [sflag:s19], $0x80  }
0x29: {  	[sflag:s19] =	ssyncset.done $0x0  }
0x2a: {  	[sflag:s19] =	ssyncadd.s32 $0xFFFFFF80  }
0x2b: {  	_ =	swait.ge [sflag:s24], $0x4000  }
0x2c: {  	[sflag:s24] =	ssyncset.done $0x0  }
0x2d: {  	[sflag:s24] =	ssyncadd.s32 $0xFFFFC000  }
0x2e: {  	[spmem:s1] =	stream.indirect.scatter.add.f32 [tilespmem:s21], [sflag:$0x3], $0x80, s23, s20, $0xb8;
	[tilespmem:$0x1C200] =	vst v63  }
0x2f: {  	_ =	swait.ge [sflag:s19], $0x4000  }
0x30: {  	s29 =	sshrl.u32 s17, $0x3;
	[sflag:s19] =	ssyncset.done $0x0  }
0x31: {  	s29 =	sadd.s32 s5, s29;
	[sflag:s19] =	ssyncadd.s32 $0xFFFFC000  }
0x32: {  	[tilespmem:s2], [sflag:$0x3] =	stream.linear.gather [hbm4b:s29+s2], $0x80, $0x38;
	[tilespmem:$0x1C200] =	vst v63  }
0x33: {  	_ =	swait.ge [sflag:s19], $0x80  }
0x34: {  	[sflag:s19] =	ssyncset.done $0x0  }
0x35: {  	[sflag:s19] =	ssyncadd.s32 $0xFFFFFF80  }
0x36: {  	[tilespmem:s21], [sflag:$0x1] =	stream.indirect.gather [hbm4b:s4+s20], $0x80, s2, s20, $0xb8;
	[tilespmem:$0x1C200] =	vst v63  }
0x37: {  	s29 =	sadd.s32 $0x0, s14  }
0x38: {  	[tilespmem:s25], [sflag:$0x3] =	stream.linear.gather [hbm4b:s29+s2], $0x80, $0x38;
	[tilespmem:$0x1C200] =	vst v63  }
0x39: {  	_ =	swait.ge [sflag:s19], $0x80  }
0x3a: {  	[sflag:s19] =	ssyncset.done $0x0  }
0x3b: {  	[sflag:s19] =	ssyncadd.s32 $0xFFFFFF80  }
0x3c: {  	_ =	swait.ge [sflag:s26], $0x4000  }
0x3d: {  	[sflag:s26] =	ssyncset.done $0x0  }
0x3e: {  	[sflag:s26] =	ssyncadd.s32 $0xFFFFC000  }
0x3f: {  	[spmem:s1] =	stream.indirect.scatter.add.f32 [tilespmem:s22], [sflag:$0x3], $0x80, s25, s20, $0xb8;
	[tilespmem:$0x1C200] =	vst v63  }
0x40: {  	_ =	swait.ge [sflag:s19], $0x4000  }
0x41: {  	[sflag:s19] =	ssyncset.done $0x0  }
0x42: {  	s29 =	sadd.s32 $0x0, s15;
	[sflag:s19] =	ssyncadd.s32 $0xFFFFC000  }
0x43: {  	[tilespmem:s20], [sflag:$0x3] =	stream.linear.gather [hbm4b:s29+s2], $0x80, $0x38;
	[tilespmem:$0x1C200] =	vst v63  }
0x44: {  	_ =	swait.ge [sflag:s19], $0x80  }
0x45: {  	[sflag:s19] =	ssyncset.done $0x0  }
0x46: {  	s30 =	sadd.s32 $0x100, s17;
	s29 =	simm.s32 $0x20;
	[sflag:s19] =	ssyncadd.s32 $0xFFFFFF80  }
.LBB2_2:
0x47: {  	[tilespmem:s22], [sflag:$0x2] =	stream.indirect.gather [hbm4b:s4+s20], $0x80, s20, s20, $0xb8;
	[tilespmem:$0x1C200] =	vst v63  }
0x48: {  	s31 =	smov.u32 s29  }
0x49: {  	p0 =	sne.s32 s29, $0x4A0;
	s29 =	sadd.s32 $0x20, s29;
	s0 =	sadd.s32 s31, s16  }
0x4a: {  	[tilespmem:s23], [sflag:$0x3] =	stream.linear.gather [hbm4b:s0+s2], $0x80, $0x38;
	[tilespmem:$0x1C200] =	vst v63  }
0x4b: {  	_ =	swait.ge [sflag:s19], $0x80  }
0x4c: {  	[sflag:s19] =	ssyncset.done $0x0  }
0x4d: {  	[sflag:s19] =	ssyncadd.s32 $0xFFFFFF80  }
0x4e: {  	_ =	swait.ge [sflag:s24], $0x4000  }
0x4f: {  	[sflag:s24] =	ssyncset.done $0x0  }
0x50: {  	[sflag:s24] =	ssyncadd.s32 $0xFFFFC000  }
0x51: {  	[spmem:s1] =	stream.indirect.scatter.add.f32 [tilespmem:s21], [sflag:$0x3], $0x80, s23, s20, $0xb8;
	[tilespmem:$0x1C200] =	vst v63  }
0x52: {  	_ =	swait.ge [sflag:s19], $0x4000  }
0x53: {  	s0 =	sshrl.u32 s30, $0x3;
	[sflag:s19] =	ssyncset.done $0x0  }
0x54: {  	s0 =	sadd.s32 s5, s0;
	[sflag:s19] =	ssyncadd.s32 $0xFFFFC000  }
0x55: {  	[tilespmem:s2], [sflag:$0x3] =	stream.linear.gather [hbm4b:s0+s2], $0x80, $0x38;
	[tilespmem:$0x1C200] =	vst v63  }
0x56: {  	_ =	swait.ge [sflag:s19], $0x80  }
0x57: {  	[sflag:s19] =	ssyncset.done $0x0  }
0x58: {  	[sflag:s19] =	ssyncadd.s32 $0xFFFFFF80  }
0x59: {  	[tilespmem:s21], [sflag:$0x1] =	stream.indirect.gather [hbm4b:s4+s20], $0x80, s2, s20, $0xb8;
	[tilespmem:$0x1C200] =	vst v63  }
0x5a: {  	s0 =	sadd.s32 s31, s14  }
0x5b: {  	[tilespmem:s25], [sflag:$0x3] =	stream.linear.gather [hbm4b:s0+s2], $0x80, $0x38;
	[tilespmem:$0x1C200] =	vst v63  }
0x5c: {  	_ =	swait.ge [sflag:s19], $0x80  }
0x5d: {  	[sflag:s19] =	ssyncset.done $0x0  }
0x5e: {  	[sflag:s19] =	ssyncadd.s32 $0xFFFFFF80  }
0x5f: {  	_ =	swait.ge [sflag:s26], $0x4000  }
0x60: {  	[sflag:s26] =	ssyncset.done $0x0  }
0x61: {  	[sflag:s26] =	ssyncadd.s32 $0xFFFFC000  }
0x62: {  	[spmem:s1] =	stream.indirect.scatter.add.f32 [tilespmem:s22], [sflag:$0x3], $0x80, s25, s20, $0xb8;
	[tilespmem:$0x1C200] =	vst v63  }
0x63: {  	_ =	swait.ge [sflag:s19], $0x4000  }
0x64: {  	[sflag:s19] =	ssyncset.done $0x0  }
.Ltmp0:
0x65: {  	s0 =	sadd.s32 s31, s15;
	[sflag:s19] =	ssyncadd.s32 $0xFFFFC000;
	(pc) =	sbr.rel @p0 .LBB2_2-.Ltmp0, $4  }
0x66: {  	[tilespmem:s20], [sflag:$0x3] =	stream.linear.gather [hbm4b:s0+s2], $0x80, $0x38;
	[tilespmem:$0x1C200] =	vst v63  }
0x67: {  	_ =	swait.ge [sflag:s19], $0x80  }
0x68: {  	[sflag:s19] =	ssyncset.done $0x0  }
0x69: {  	s30 =	sadd.s32 $0x100, s30;
	[sflag:s19] =	ssyncadd.s32 $0xFFFFFF80  }
0x6a: {  	[tilespmem:s22], [sflag:$0x2] =	stream.indirect.gather [hbm4b:s4+s20], $0x80, s20, s20, $0xb8;
	[tilespmem:$0x1C200] =	vst v63  }
0x6b: {  	_ = 	snop  }
0x6c: {  	[tilespmem:s23], [sflag:$0x3] =	stream.linear.gather [hbm4b:s10+s2], $0x80, $0x38;
	[tilespmem:$0x1C200] =	vst v63  }
0x6d: {  	_ =	swait.ge [sflag:s19], $0x80  }
0x6e: {  	[sflag:s19] =	ssyncset.done $0x0  }
0x6f: {  	[sflag:s19] =	ssyncadd.s32 $0xFFFFFF80  }
0x70: {  	_ =	swait.ge [sflag:s24], $0x4000  }
0x71: {  	[sflag:s24] =	ssyncset.done $0x0  }
0x72: {  	[sflag:s24] =	ssyncadd.s32 $0xFFFFC000  }
0x73: {  	[spmem:s1] =	stream.indirect.scatter.add.f32 [tilespmem:s21], [sflag:$0x3], $0x80, s23, s20, $0xb8;
	[tilespmem:$0x1C200] =	vst v63  }
0x74: {  	_ =	swait.ge [sflag:s19], $0x4000  }
0x75: {  	[sflag:s19] =	ssyncset.done $0x0  }
0x76: {  	[sflag:s19] =	ssyncadd.s32 $0xFFFFC000  }
0x77: {  	[tilespmem:s25], [sflag:$0x3] =	stream.linear.gather [hbm4b:s11+s2], $0x80, $0x38;
	[tilespmem:$0x1C200] =	vst v63  }
0x78: {  	_ =	swait.ge [sflag:s19], $0x80  }
0x79: {  	[sflag:s19] =	ssyncset.done $0x0  }
0x7a: {  	[sflag:s19] =	ssyncadd.s32 $0xFFFFFF80  }
0x7b: {  	_ =	swait.ge [sflag:s26], $0x4000  }
0x7c: {  	[sflag:s26] =	ssyncset.done $0x0  }
0x7d: {  	[sflag:s26] =	ssyncadd.s32 $0xFFFFC000  }
0x7e: {  	[spmem:s1] =	stream.indirect.scatter.add.f32 [tilespmem:s22], [sflag:$0x3], $0x80, s25, s20, $0xb8;
	[tilespmem:$0x1C200] =	vst v63  }
0x7f: {  	_ =	swait.ge [sflag:s19], $0x4000  }
0x80: {  	s28 =	sadd.s32 $0x1, s28;
	[sflag:s19] =	ssyncset.done $0x0  }
0x81: {  	p0 =	sne.s32 s28, s13;
	[sflag:s19] =	ssyncadd.s32 $0xFFFFC000  }
.Ltmp1:
0x82: {  	[bflag:$0x0] =	sbarrier.arrive $0xFFFF;
	(pc) =	sbr.rel @p0 .LBB2_1-.Ltmp1, $4  }
0x83: {  	[hbm:s12], [sflag:s7] =	dma.local [spmem:s18], $0x2800  }
0x84: {  	_ =	swait.ge [sflag:s19], $0x2800  }
0x85: {  	[sflag:s19] =	ssyncset.done $0x0  }
0x86: {  	[sflag:s19] =	ssyncadd.s32 $0xFFFFD800  }
0x87: {  	_ =	sfence.sel $0x180000  }
0x88: {  	[bflag:$0x0] =	sbarrier.arrive $0xFFFF  }
0x89: {  	_ =	strace $0x9000004A  }
0x8a: {  	[bflag:$0x2] =	sbarrier.arrive $0xFFFF  }
0x8b: {  	p0 =	sne.s32 s3, $0x0;
	s0 =	rddreg [dreg:$0x3]  }
0x8c: {  	s0 =	sadd.s32 @!p0 $0x100000, s0  }
0x8d: {  	[sflag:s0] =	ssyncadd.tile.s32 @!p0 $0x1;
	_ =	shalt  }
.Lfunc_end2:
_tile_overlayer_lowered:
.L_overlay_start_2:
0x8e: {  	(tag) =	ssettag $0x2  }
0x8f: {  	s0 =	rddreg [dreg:$0x0];
	s2 =	stileid.u32  }
0x90: {  	s1 =	rddreg [dreg:$0x1];
	p0 =	sne.s32 s2, $0x0  }
0x91: {  	s3 =	rddreg [dreg:$0x2];
	[bflag:$0x3] =	sbarrier.arrive $0xFFFF;
	s2 =	simm.s32 @!p0 $0x1C03  }
0x92: {  	[timem:s3], [sflag:s2] =	dma.local @!p0 [hbm:s0], s1  }
0x93: {  	s0 =	simm.s32 @!p0 $0x3  }
0x94: {  	_ =	swait.ge @!p0 [sflag:s0], s1  }
0x95: {  	s1 =	ssub.s32 @!p0 $0x0, s1;
	[sflag:s0] =	ssyncset.done @!p0 $0x0  }
0x96: {  	[sflag:s0] =	ssyncadd.s32 @!p0 s1  }
0x97: {  	[bflag:$0x3] =	sbarrier.arrive $0xFFFF  }
0x98: {  	_ =	shalt  }

</sc_bundles>
